<compile_context>
chip_gen: v7x
topology: tpu7x:2x2x1
jax: 0.10.2.dev20260603
libtpu: 0.0.44.dev20260713+nightly
codegen_flags: <defaults>
</compile_context>

<pallas_src>
import numpy as np
import jax
import jax.numpy as jnp
from jax import lax
from jax.experimental import pallas as pl
from jax.experimental.pallas import tpu as pltpu
from jax.experimental.pallas import tpu_sc as plsc

_K = 8
_BQ = 512
_BQ1 = 1024
_TWO_PI = 2.0 * np.pi
_NW = 32


def _topk_kernel(coordQ_ref, coordT_ref, idx_ref, gidx_ref):
    N = coordT_ref.shape[2]
    BQ = idx_ref.shape[1]
    b = pl.program_id(0)
    q = pl.program_id(1)
    qs = q * BQ

    qc = coordQ_ref[0]
    qx = qc[:, 0:1]
    qy = qc[:, 1:2]
    kx = coordT_ref[0, 0:1, :]
    ky = coordT_ref[0, 1:2, :]
    dx = qx - kx
    dy = qy - ky
    d = dx * dx + dy * dy

    lane = jax.lax.broadcasted_iota(jnp.int32, (BQ, N), 1)
    qi = qs + jax.lax.broadcasted_iota(jnp.int32, (BQ, 1), 0)
    d = jnp.where(lane == qi, jnp.inf, d)

    idx_cols = [qi]
    for t in range(_K - 1):
        m = jnp.min(d, axis=1, keepdims=True)
        cand = jnp.where(d == m, lane, N)
        j = jnp.min(cand, axis=1, keepdims=True)
        idx_cols.append(j)
        if t < _K - 2:
            d = jnp.where(cand == j, jnp.inf, d)

    idx_ref[0] = jnp.concatenate(idx_cols, axis=1)
    goff = b * N * 8
    gcols = [j * 8 + (goff + c) for j in idx_cols[1:] for c in range(8)]
    gidx_ref[0] = jnp.concatenate(gcols, axis=1)


def _sc_gather_kernel(table_ref, gidx_ref, out_ref, table_sh, idx_v, rows_v, sem):
    rows = idx_v.shape[0]
    wid = lax.axis_index("s") * 2 + lax.axis_index("c")
    base = wid * rows

    @pl.when(lax.axis_index("s") == 0)
    def _():
        pltpu.sync_copy(table_ref, table_sh)
    plsc.subcore_barrier()

    pltpu.sync_copy(gidx_ref.at[pl.ds(base, rows)], idx_v)
    pltpu.async_copy(table_sh.at[idx_v], rows_v, sem).wait()
    pltpu.sync_copy(rows_v, out_ref.at[pl.ds(base, rows)])
    plsc.subcore_barrier()


def _umbrella_kernel(gath_ref, coordT_ref, valT_ref,
                     sort_ref, grad_ref, umb_ref):
    BQ = sort_ref.shape[1]
    K1 = _K - 1

    g = gath_ref[0].T.reshape(K1, 8, BQ)
    px = g[:, 0, :]
    py = g[:, 1, :]
    pv = [g[:, 2 + i, :] for i in range(3)]

    qxT = coordT_ref[0, 0:1, :]
    qyT = coordT_ref[0, 1:2, :]
    qv = [valT_ref[0, i:i + 1, :] for i in range(3)]

    nx = px - qxT
    ny = py - qyT

    phi = jnp.arctan2(ny, nx) / _TWO_PI + 0.5

    arow = jax.lax.broadcasted_iota(jnp.int32, (K1, 1), 0)
    rank = jnp.zeros((K1, BQ), jnp.int32)
    for a in range(K1):
        pa = phi[a:a + 1, :]
        cnt = (phi < pa) | ((phi == pa) & (arow < a))
        r_a = jnp.sum(cnt.astype(jnp.int32), axis=0, keepdims=True)
        rank = jnp.where(arow == a, r_a, rank)

    sel = [rank[a:a + 1, :] == arow for a in range(K1)]

    def srt(x):
        out = jnp.where(sel[0], x[0:1, :], 0.0)
        for a in range(1, K1):
            out = out + jnp.where(sel[a], x[a:a + 1, :], 0.0)
        return out

    sortidx = jnp.where(sel[0], 0, 0)
    for a in range(1, K1):
        sortidx = sortidx + jnp.where(sel[a], a, 0)
    sort_ref[0] = sortidx.astype(jnp.int32).T

    def roll(x):
        return jnp.concatenate([x[1:, :], x[:1, :]], axis=0)

    px_s = srt(px); py_s = srt(py)
    pv_s = [srt(v) for v in pv]
    nx_s = px_s - qxT; ny_s = py_s - qyT
    mv_s = [pv_s[i] - qv[i] for i in range(3)]
    phi_s = srt(phi)

    px_r = roll(px_s); py_r = roll(py_s)
    pv_r = [roll(v) for v in pv_s]
    nx_r = roll(nx_s); ny_r = roll(ny_s)
    mv_r = [roll(v) for v in mv_s]
    phi_r = roll(phi_s)

    eur = jnp.sqrt(nx_s * nx_s + ny_s * ny_s)
    eur_r = jnp.sqrt(nx_r * nx_r + ny_r * ny_r)
    sin_angle = jnp.abs(jnp.sin((phi_r - phi_s - 0.5) * _TWO_PI))

    ones = jnp.ones((K1, BQ), jnp.float32)
    chans = [qxT * ones, qyT * ones,
             qv[0] * ones, qv[1] * ones, qv[2] * ones,
             px_s, py_s, pv_s[0], pv_s[1], pv_s[2],
             nx_s, ny_s, mv_s[0], mv_s[1], mv_s[2],
             px_r, py_r, pv_r[0], pv_r[1], pv_r[2],
             nx_r, ny_r, mv_r[0], mv_r[1], mv_r[2],
             eur, eur_r, sin_angle]
    umb_ref[0] = jnp.stack(chans, axis=1).reshape(K1 * 28, BQ).T

    det = nx_s * ny_r - ny_s * nx_r
    area = 0.5 * jnp.abs(det)
    area_norm = jnp.sum(area, axis=0, keepdims=True)
    area_norm = jnp.where(area_norm == 0.0, 10000.0, area_norm)
    w = area / area_norm

    grads = []
    for i in range(3):
        ms = mv_s[i]
        mr = mv_r[i]
        c0 = ny_s * mr - ms * ny_r
        c1 = ms * nx_r - nx_s * mr
        c2 = nx_s * ny_r - ny_s * nx_r
        nrm = jnp.sqrt(c0 * c0 + c1 * c1 + c2 * c2)
        safe = jnp.where(nrm == 0.0, 1.0, nrm)
        u0 = jnp.sum((c0 / safe) * w, axis=0, keepdims=True)
        u1 = jnp.sum((c1 / safe) * w, axis=0, keepdims=True)
        u2 = jnp.sum((c2 / safe) * w, axis=0, keepdims=True)

        def comp(num, den):
            sd = jnp.where(den == 0.0, 1.0, den)
            return jnp.where(den == 0.0, 0.0, -num / sd) / 10000.0

        grads.append(comp(u0, u2))
        grads.append(comp(u1, u2))
    grad_ref[0] = jnp.concatenate(grads, axis=0).T


def kernel(coordinate, value):
    B, N, _ = coordinate.shape
    K1 = _K - 1
    coordT = jnp.swapaxes(coordinate, 1, 2)
    valT = jnp.swapaxes(value, 1, 2)

    idx, gidx = pl.pallas_call(
        _topk_kernel,
        grid=(B, N // _BQ1),
        in_specs=[
            pl.BlockSpec((1, _BQ1, 2), lambda b, q: (b, q, 0)),
            pl.BlockSpec((1, 2, N), lambda b, q: (b, 0, 0)),
        ],
        out_specs=(
            pl.BlockSpec((1, _BQ1, _K), lambda b, q: (b, q, 0)),
            pl.BlockSpec((1, _BQ1, 56), lambda b, q: (b, q, 0)),
        ),
        out_shape=(
            jax.ShapeDtypeStruct((B, N, _K), jnp.int32),
            jax.ShapeDtypeStruct((B, N, 56), jnp.int32),
        ),
    )(coordinate, coordT)

    table = jnp.concatenate(
        [coordinate, value, jnp.zeros((B, N, 3), jnp.float32)],
        axis=-1).reshape(B * N * 8)
    gidx_flat = gidx.reshape(B * N * K1 * 8)
    words_per_w = (B * N * K1 * 8) // _NW

    mesh = plsc.VectorSubcoreMesh(core_axis_name="c", subcore_axis_name="s")
    gath = pl.kernel(
        _sc_gather_kernel,
        out_type=jax.ShapeDtypeStruct((B * N * K1 * 8,), jnp.float32),
        mesh=mesh,
        scratch_types=[
            pltpu.VMEM_SHARED((B * N * 8,), jnp.float32),
            pltpu.VMEM((words_per_w,), jnp.int32),
            pltpu.VMEM((words_per_w,), jnp.float32),
            pltpu.SemaphoreType.DMA,
        ],
    )(table, gidx_flat)

    gath2 = gath.reshape(B, N, K1 * 8)

    sort_idx, gradient, umb = pl.pallas_call(
        _umbrella_kernel,
        grid=(B, N // _BQ),
        in_specs=[
            pl.BlockSpec((1, _BQ, K1 * 8), lambda b, q: (b, q, 0)),
            pl.BlockSpec((1, 2, _BQ), lambda b, q: (b, 0, q)),
            pl.BlockSpec((1, 3, _BQ), lambda b, q: (b, 0, q)),
        ],
        out_specs=(
            pl.BlockSpec((1, _BQ, K1), lambda b, q: (b, q, 0)),
            pl.BlockSpec((1, _BQ, 6), lambda b, q: (b, q, 0)),
            pl.BlockSpec((1, _BQ, K1 * 28), lambda b, q: (b, q, 0)),
        ),
        out_shape=(
            jax.ShapeDtypeStruct((B, N, K1), jnp.int32),
            jax.ShapeDtypeStruct((B, N, 6), jnp.float32),
            jax.ShapeDtypeStruct((B, N, K1 * 28), jnp.float32),
        ),
    )(gath2, coordT, valT)

    umbrella = umb.reshape(B, N, K1, 28)
    return gradient, idx, umbrella, sort_idx

# --- scband reference (transcript-rebuilt; emitter-appended) ---
"""Pipeline reference for scband-gradient-calculation-cp-delaunay-weight-21852793602447 (READ-ONLY COPY).

The authoritative reference and input builder live on the scoring server;
editing this copy changes nothing except your own understanding.
"""

import jax, jax.numpy as jnp
import numpy as np

K = 8
B = 4
NPOINT = 2048


def setup_inputs(seed: int = 0) -> dict:
    key = jax.random.key(seed)
    k1, k2 = jax.random.split(key)
    coordinate = jax.random.normal(k1, (B, NPOINT, 2), dtype=jnp.float32)
    value = jax.random.normal(k2, (B, NPOINT, 3), dtype=jnp.float32)
    return {"coordinate": coordinate, "value": value}


def _index_points(points, idx):
    # points [B,N,C], idx [B,N,k] -> [B,N,k,C]
    return jax.vmap(lambda p, i: p[i])(points, idx)


def _forward(coordinate, value):
    k = K
    # query_knn_point: brute-force kNN (self included as first neighbor)
    d = jnp.sum((coordinate[:, :, None, :] - coordinate[:, None, :, :]) ** 2, axis=-1)
    _, idx = jax.lax.top_k(-d, k)  # [B,N,k]
    group_xy = _index_points(coordinate, idx)[:, :, 1:]      # [B,N,k-1,2]
    group_value = _index_points(value, idx)[:, :, 1:]        # [B,N,k-1,3]
    group_value_norm = group_value - value[:, :, None, :]
    group_xy_norm = group_xy - coordinate[:, :, None, :]
    # xyz2sphere (2D): normalized polar angle in [0,1]
    group_phi = jnp.arctan2(group_xy_norm[..., 1], group_xy_norm[..., 0]) / (2.0 * np.pi) + 0.5
    sort_idx = jnp.argsort(group_phi, axis=-1)
    group_phi_s = jnp.take_along_axis(group_phi, sort_idx, axis=-1)
    group_phi_roll = jnp.roll(group_phi_s, -1, axis=-1)

    def resort(p):
        return jnp.take_along_axis(p, sort_idx[..., None], axis=2)

    sorted_group_xyz = resort(group_xy_norm)
    sorted_group_xyz_roll = jnp.roll(sorted_group_xyz, -1, axis=2)
    cen_xy = jnp.zeros_like(sorted_group_xyz[:, :, :, None, :])
    umbrella_group_xyz = jnp.concatenate([cen_xy, sorted_group_xyz[:, :, :, None, :], sorted_group_xyz_roll[:, :, :, None, :]], axis=-2)  # [B,N,k-1,3,2]
    sorted_group_value = resort(group_value_norm)
    sorted_group_value_roll = jnp.roll(sorted_group_value, -1, axis=2)
    cen_v = jnp.zeros_like(sorted_group_value[:, :, :, None, :])
    umbrella_group_value = jnp.concatenate([cen_v, sorted_group_value[:, :, :, None, :], sorted_group_value_roll[:, :, :, None, :]], axis=-2)  # [B,N,k-1,3,3]
    sorted_group_xyz_un = resort(group_xy)
    sorted_group_xyz_un_roll = jnp.roll(sorted_group_xyz_un, -1, axis=2)
    sorted_group_value_un = resort(group_value)
    sorted_group_value_un_roll = jnp.roll(sorted_group_value_un, -1, axis=2)
    eur = jnp.linalg.norm(sorted_group_xyz, axis=-1)[..., None]
    eur_roll = jnp.linalg.norm(sorted_group_xyz_roll, axis=-1)[..., None]
    xy_rep = jnp.broadcast_to(coordinate[:, :, None, :], group_xy.shape)
    v_rep = jnp.broadcast_to(value[:, :, None, :], group_value.shape)
    umbrella_group_relative = jnp.concatenate([
        xy_rep, v_rep, sorted_group_xyz_un, sorted_group_value_un,
        sorted_group_xyz, sorted_group_value,
        sorted_group_xyz_un_roll, sorted_group_value_un_roll,
        sorted_group_xyz_roll, sorted_group_value_roll,
        eur, eur_roll, group_phi_s[..., None], group_phi_roll[..., None]], axis=-1)
    # cal_normal_3d: per value channel, unit normal of each umbrella triangle
    grads = []
    for i in range(3):
        tri = jnp.concatenate([umbrella_group_xyz, umbrella_group_value[..., i:i + 1]], axis=-1)  # [B,N,k-1,3,3]
        v1 = tri[..., 1, :] - tri[..., 0, :]
        v2 = tri[..., 2, :] - tri[..., 0, :]
        nor = jnp.cross(v1, v2)
        nrm = jnp.linalg.norm(nor, axis=-1, keepdims=True)
        unit = nor / jnp.where(nrm == 0, 1.0, nrm)
        grads.append(unit)
    gradient_c = jnp.concatenate(grads, axis=-1)  # [B,N,k-1,9]
    # cal_area_2D: area of each 2D triangle via determinant with homogeneous pad
    mat = jnp.concatenate([umbrella_group_xyz, jnp.ones_like(umbrella_group_xyz[..., :1])], axis=-1)  # [B,N,k-1,3,3]
    area = 0.5 * jnp.abs(jnp.linalg.det(mat))  # [B,N,k-1]
    area_norm = jnp.sum(area, axis=-1, keepdims=True)
    area_norm = jnp.where(area_norm == 0, 10000.0, area_norm)
    w = (area / area_norm)[..., None]
    gradient_c = jnp.sum(gradient_c * w, axis=-2)  # [B,N,9]

    def comp(num, den):
        safe_den = jnp.where(den == 0, 1.0, den)
        return jnp.where(den == 0, 0.0, -num / safe_den)

    gradient = jnp.stack([
        comp(gradient_c[..., 0], gradient_c[..., 2]),
        comp(gradient_c[..., 1], gradient_c[..., 2]),
        comp(gradient_c[..., 3], gradient_c[..., 5]),
        comp(gradient_c[..., 4], gradient_c[..., 5]),
        comp(gradient_c[..., 6], gradient_c[..., 8]),
        comp(gradient_c[..., 7], gradient_c[..., 8])], axis=-1) / 10000.0
    sin_angle = jnp.abs(jnp.sin((group_phi_roll - group_phi_s - 0.5) * 2.0 * np.pi))
    umbrella_group_all = jnp.concatenate([umbrella_group_relative[..., :-2], sin_angle[..., None]], axis=-1)
    return gradient, idx, umbrella_group_all, sort_idx


def reference(coordinate, value):
    return _forward(coordinate, value)

if __name__ == "__main__":
    import jax
    _d = setup_inputs()
    print(jax.jit(kernel)(*tuple(_d.values())))

</pallas_src>

<mosaic_0001>
#map = affine_map<(d0, d1) -> (0)>
module attributes {stable_mosaic.version = 14 : i64} {
  func.func @_sc_gather_kernel(%arg0: i32, %arg1: i32, %arg2: memref<65536xf32, #tpu.memory_space<hbm>>, %arg3: memref<458752xi32, #tpu.memory_space<hbm>>, %arg4: memref<458752xf32, #tpu.memory_space<hbm>>, %arg5: memref<65536xf32, #tpu.memory_space<vmem_shared>>, %arg6: memref<14336xi32, #tpu.memory_space<vmem>>, %arg7: memref<14336xf32, #tpu.memory_space<vmem>>, %arg8: memref<!tpu.dma_semaphore, #tpu.memory_space<semaphore_mem>>) attributes {dimension_semantics = [#tpu.dimension_semantics<core_parallel>, #tpu.dimension_semantics<subcore_parallel>], iteration_bounds = array<i64: 2, 16>, scalar_prefetch = 0 : i64, scratch_operands = 4 : i64, tpu.core_type = #tpu.core_type<sc_vector_subcore>, window_params = [{transform_indices = #map}, {transform_indices = #map}, {transform_indices = #map}]} {
    %mul3A = arith.constant 2 : i32
    %mul3A_0 = arith.muli %arg1, %mul3A : i32
    %add3A = arith.addi %mul3A_0, %arg0 : i32
    %mul3A_1 = arith.constant 14336 : i32
    %mul3A_2 = arith.muli %add3A, %mul3A_1 : i32
    %eq3A = arith.constant 0 : i32
    %eq3A_3 = arith.cmpi eq, %arg1, %eq3A : i32
    %convert_element_type3A = arith.extui %eq3A_3 : i1 to i32
    %cond3A = arith.constant 0 : i32
    %cond3A_4 = arith.cmpi ne, %convert_element_type3A, %cond3A : i32
    scf.if %cond3A_4 {
      "tpu.region"() ({
        %run_scoped3A = tpu.sem_alloc : memref<!tpu.dma_semaphore, #tpu.memory_space<semaphore_mem>>
        tpu.enqueue_dma source(%arg2 : memref<65536xf32, #tpu.memory_space<hbm>>) target(%arg5 : memref<65536xf32, #tpu.memory_space<vmem_shared>>) target_semaphore(%run_scoped3A : memref<!tpu.dma_semaphore, #tpu.memory_space<semaphore_mem>>)
        tpu.wait_dma2 semaphore(%run_scoped3A : memref<!tpu.dma_semaphore, #tpu.memory_space<semaphore_mem>>) src(%arg2 : memref<65536xf32, #tpu.memory_space<hbm>>) dst(%arg5 : memref<65536xf32, #tpu.memory_space<vmem_shared>>)
        tpu.yield
      }) : () -> ()
    } else {
    }
    %barrier3A = arith.constant 0 : index
    tpu.barrier barrier_id(%barrier3A)
    "tpu.region"() ({
      %run_scoped3A = tpu.sem_alloc : memref<!tpu.dma_semaphore, #tpu.memory_space<semaphore_mem>>
      %dma_start3A_8 = tpu.memref_slice %arg3[%mul3A_2] : memref<458752xi32, #tpu.memory_space<hbm>> -> memref<14336xi32, #tpu.memory_space<hbm>>
      %dma_start3A_9 = tpu.memref_slice %arg3[%mul3A_2] : memref<458752xi32, #tpu.memory_space<hbm>> -> memref<14336xi32, #tpu.memory_space<hbm>>
      tpu.enqueue_dma source(%dma_start3A_9 : memref<14336xi32, #tpu.memory_space<hbm>>) target(%arg6 : memref<14336xi32, #tpu.memory_space<vmem>>) target_semaphore(%run_scoped3A : memref<!tpu.dma_semaphore, #tpu.memory_space<semaphore_mem>>)
      %dma_wait3A_10 = tpu.memref_slice %arg3[%mul3A_2] : memref<458752xi32, #tpu.memory_space<hbm>> -> memref<14336xi32, #tpu.memory_space<hbm>>
      %dma_wait3A_11 = tpu.memref_slice %arg3[%mul3A_2] : memref<458752xi32, #tpu.memory_space<hbm>> -> memref<14336xi32, #tpu.memory_space<hbm>>
      tpu.wait_dma2 semaphore(%run_scoped3A : memref<!tpu.dma_semaphore, #tpu.memory_space<semaphore_mem>>) src(%dma_wait3A_11 : memref<14336xi32, #tpu.memory_space<hbm>>) dst(%arg6 : memref<14336xi32, #tpu.memory_space<vmem>>)
      tpu.yield
    }) : () -> ()
    %dma_start3A = arith.constant 0 : i32
    %dma_start3A_5 = tpu.memref_slice %arg5[%dma_start3A] : memref<65536xf32, #tpu.memory_space<vmem_shared>> -> memref<65536xf32, #tpu.memory_space<vmem_shared>>
    tpu.enqueue_indirect_dma source(%dma_start3A_5 : memref<65536xf32, #tpu.memory_space<vmem_shared>>) target(%arg7 : memref<14336xf32, #tpu.memory_space<vmem>>) offsets(%arg6 : memref<14336xi32, #tpu.memory_space<vmem>>) semaphore(%arg8 : memref<!tpu.dma_semaphore, #tpu.memory_space<semaphore_mem>>)
    %dma_wait3A = arith.constant 0 : i32
    %dma_wait3A_6 = tpu.memref_slice %arg5[%dma_wait3A] : memref<65536xf32, #tpu.memory_space<vmem_shared>> -> memref<65536xf32, #tpu.memory_space<vmem_shared>>
    tpu.wait_indirect_dma semaphore(%arg8 : memref<!tpu.dma_semaphore, #tpu.memory_space<semaphore_mem>>) src(%dma_wait3A_6 : memref<65536xf32, #tpu.memory_space<vmem_shared>>) dst(%arg7 : memref<14336xf32, #tpu.memory_space<vmem>>)
    "tpu.region"() ({
      %run_scoped3A = tpu.sem_alloc : memref<!tpu.dma_semaphore, #tpu.memory_space<semaphore_mem>>
      %dma_start3A_8 = tpu.memref_slice %arg4[%mul3A_2] : memref<458752xf32, #tpu.memory_space<hbm>> -> memref<14336xf32, #tpu.memory_space<hbm>>
      %dma_start3A_9 = tpu.memref_slice %arg4[%mul3A_2] : memref<458752xf32, #tpu.memory_space<hbm>> -> memref<14336xf32, #tpu.memory_space<hbm>>
      tpu.enqueue_dma source(%arg7 : memref<14336xf32, #tpu.memory_space<vmem>>) target(%dma_start3A_9 : memref<14336xf32, #tpu.memory_space<hbm>>) target_semaphore(%run_scoped3A : memref<!tpu.dma_semaphore, #tpu.memory_space<semaphore_mem>>)
      %dma_wait3A_10 = tpu.memref_slice %arg4[%mul3A_2] : memref<458752xf32, #tpu.memory_space<hbm>> -> memref<14336xf32, #tpu.memory_space<hbm>>
      %dma_wait3A_11 = tpu.memref_slice %arg4[%mul3A_2] : memref<458752xf32, #tpu.memory_space<hbm>> -> memref<14336xf32, #tpu.memory_space<hbm>>
      tpu.wait_dma2 semaphore(%run_scoped3A : memref<!tpu.dma_semaphore, #tpu.memory_space<semaphore_mem>>) src(%arg7 : memref<14336xf32, #tpu.memory_space<vmem>>) dst(%dma_wait3A_11 : memref<14336xf32, #tpu.memory_space<hbm>>)
      tpu.yield
    }) : () -> ()
    %barrier3A_7 = arith.constant 0 : index
    tpu.barrier barrier_id(%barrier3A_7)
    return
  }
}

module attributes {stable_mosaic.version = 14 : i64} {
  func.func @_topk_kernel(%arg0: i32, %arg1: i32, %arg2: memref<1x1024x2xf32, #tpu.memory_space<vmem>>, %arg3: memref<1x2x2048xf32, #tpu.memory_space<vmem>>, %arg4: memref<1x1024x8xi32, #tpu.memory_space<vmem>>, %arg5: memref<1x1024x56xi32, #tpu.memory_space<vmem>>) attributes {dimension_semantics = [#tpu.dimension_semantics<arbitrary>, #tpu.dimension_semantics<arbitrary>], iteration_bounds = array<i64: 4, 2>, scalar_prefetch = 0 : i64, scratch_operands = 0 : i64, tpu.core_type = #tpu.core_type<tc>, window_params = [{transform_indices = @transform_0, window_bounds = array<i64: 1, 1024, 2>}, {transform_indices = @transform_1, window_bounds = array<i64: 1, 2, 2048>}, {transform_indices = @transform_2, window_bounds = array<i64: 1, 1024, 8>}, {transform_indices = @transform_3, window_bounds = array<i64: 1, 1024, 56>}]} {
    %mul3A = arith.constant 1024 : i32
    %mul3A_0 = arith.muli %arg1, %mul3A : i32
    %get3A = arith.constant 0 : index
    %get3A_1 = arith.constant 0 : index
    %get3A_2 = arith.constant 0 : index
    %get3A_3 = vector.load %arg2[%get3A, %get3A_1, %get3A_2] : memref<1x1024x2xf32, #tpu.memory_space<vmem>>, vector<1x1024x2xf32>
    %get3A_4 = vector.shape_cast %get3A_3 : vector<1x1024x2xf32> to vector<1024x2xf32>
    %slice3A = vector.extract_strided_slice %get3A_4 {offsets = [0, 0], sizes = [1024, 1], strides = [1, 1]} : vector<1024x2xf32> to vector<1024x1xf32>
    %slice3A_5 = vector.extract_strided_slice %get3A_4 {offsets = [0, 1], sizes = [1024, 1], strides = [1, 1]} : vector<1024x2xf32> to vector<1024x1xf32>
    %get3A_6 = arith.constant 0 : index
    %get3A_7 = arith.constant 0 : index
    %get3A_8 = arith.constant 0 : index
    %get3A_9 = vector.load %arg3[%get3A_6, %get3A_7, %get3A_8] : memref<1x2x2048xf32, #tpu.memory_space<vmem>>, vector<1x1x2048xf32>
    %get3A_10 = vector.shape_cast %get3A_9 : vector<1x1x2048xf32> to vector<1x2048xf32>
    %get3A_11 = arith.constant 0 : index
    %get3A_12 = arith.constant 1 : index
    %get3A_13 = arith.constant 0 : index
    %get3A_14 = vector.load %arg3[%get3A_11, %get3A_12, %get3A_13] : memref<1x2x2048xf32, #tpu.memory_space<vmem>>, vector<1x1x2048xf32>
    %get3A_15 = vector.shape_cast %get3A_14 : vector<1x1x2048xf32> to vector<1x2048xf32>
    %sub3A = vector.broadcast %slice3A : vector<1024x1xf32> to vector<1024x2048xf32>
    %sub3A_16 = vector.broadcast %get3A_10 : vector<1x2048xf32> to vector<1024x2048xf32>
    %sub3A_17 = arith.subf %sub3A, %sub3A_16 : vector<1024x2048xf32>
    %sub3A_18 = vector.broadcast %slice3A_5 : vector<1024x1xf32> to vector<1024x2048xf32>
    %sub3A_19 = vector.broadcast %get3A_15 : vector<1x2048xf32> to vector<1024x2048xf32>
    %sub3A_20 = arith.subf %sub3A_18, %sub3A_19 : vector<1024x2048xf32>
    %mul3A_21 = arith.mulf %sub3A_17, %sub3A_17 : vector<1024x2048xf32>
    %mul3A_22 = arith.mulf %sub3A_20, %sub3A_20 : vector<1024x2048xf32>
    %add3A = arith.addf %mul3A_21, %mul3A_22 : vector<1024x2048xf32>
    %iota3A = tpu.iota {dimensions = array<i32: 1>} : vector<1024x2048xi32>
    %iota3A_23 = tpu.iota {dimensions = array<i32: 0>} : vector<1024x1xi32>
    %add3A_24 = vector.broadcast %mul3A_0 : i32 to vector<1024x1xi32>
    %add3A_25 = arith.addi %add3A_24, %iota3A_23 : vector<1024x1xi32>
    %eq3A = vector.broadcast %add3A_25 : vector<1024x1xi32> to vector<1024x2048xi32>
    %eq3A_26 = arith.cmpi eq, %iota3A, %eq3A : vector<1024x2048xi32>
    %jit3A = arith.constant 0x7F800000 : f32
    %broadcast_in_dim3A = vector.broadcast %jit3A : f32 to vector<1024x2048xf32>
    %select_n3A = arith.select %eq3A_26, %broadcast_in_dim3A, %add3A : vector<1024x2048xi1>, vector<1024x2048xf32>
    %reduce_min3A = arith.constant dense<0x7F800000> : vector<1024xf32>
    %reduce_min3A_27 = vector.multi_reduction <minimumf>, %select_n3A, %reduce_min3A [1] : vector<1024x2048xf32> to vector<1024xf32>
    %broadcast_in_dim3A_28 = vector.shape_cast %reduce_min3A_27 : vector<1024xf32> to vector<1024x1xf32>
    %eq3A_29 = vector.broadcast %broadcast_in_dim3A_28 : vector<1024x1xf32> to vector<1024x2048xf32>
    %eq3A_30 = arith.cmpf oeq, %select_n3A, %eq3A_29 : vector<1024x2048xf32>
    %jit3A_31 = arith.constant 2048 : i32
    %broadcast_in_dim3A_32 = vector.broadcast %jit3A_31 : i32 to vector<1024x2048xi32>
    %select_n3A_33 = arith.select %eq3A_30, %iota3A, %broadcast_in_dim3A_32 : vector<1024x2048xi1>, vector<1024x2048xi32>
    %reduce_min3A_34 = arith.constant dense<2147483647> : vector<1024xi32>
    %reduce_min3A_35 = vector.multi_reduction <minsi>, %select_n3A_33, %reduce_min3A_34 [1] : vector<1024x2048xi32> to vector<1024xi32>
    %broadcast_in_dim3A_36 = vector.shape_cast %reduce_min3A_35 : vector<1024xi32> to vector<1024x1xi32>
    %eq3A_37 = vector.broadcast %broadcast_in_dim3A_36 : vector<1024x1xi32> to vector<1024x2048xi32>
    %eq3A_38 = arith.cmpi eq, %select_n3A_33, %eq3A_37 : vector<1024x2048xi32>
    %jit3A_39 = arith.constant 0x7F800000 : f32
    %broadcast_in_dim3A_40 = vector.broadcast %jit3A_39 : f32 to vector<1024x2048xf32>
    %select_n3A_41 = arith.select %eq3A_38, %broadcast_in_dim3A_40, %select_n3A : vector<1024x2048xi1>, vector<1024x2048xf32>
    %reduce_min3A_42 = arith.constant dense<0x7F800000> : vector<1024xf32>
    %reduce_min3A_43 = vector.multi_reduction <minimumf>, %select_n3A_41, %reduce_min3A_42 [1] : vector<1024x2048xf32> to vector<1024xf32>
    %broadcast_in_dim3A_44 = vector.shape_cast %reduce_min3A_43 : vector<1024xf32> to vector<1024x1xf32>
    %eq3A_45 = vector.broadcast %broadcast_in_dim3A_44 : vector<1024x1xf32> to vector<1024x2048xf32>
    %eq3A_46 = arith.cmpf oeq, %select_n3A_41, %eq3A_45 : vector<1024x2048xf32>
    %jit3A_47 = arith.constant 2048 : i32
    %broadcast_in_dim3A_48 = vector.broadcast %jit3A_47 : i32 to vector<1024x2048xi32>
    %select_n3A_49 = arith.select %eq3A_46, %iota3A, %broadcast_in_dim3A_48 : vector<1024x2048xi1>, vector<1024x2048xi32>
    %reduce_min3A_50 = arith.constant dense<2147483647> : vector<1024xi32>
    %reduce_min3A_51 = vector.multi_reduction <minsi>, %select_n3A_49, %reduce_min3A_50 [1] : vector<1024x2048xi32> to vector<1024xi32>
    %broadcast_in_dim3A_52 = vector.shape_cast %reduce_min3A_51 : vector<1024xi32> to vector<1024x1xi32>
    %eq3A_53 = vector.broadcast %broadcast_in_dim3A_52 : vector<1024x1xi32> to vector<1024x2048xi32>
    %eq3A_54 = arith.cmpi eq, %select_n3A_49, %eq3A_53 : vector<1024x2048xi32>
    %jit3A_55 = arith.constant 0x7F800000 : f32
    %broadcast_in_dim3A_56 = vector.broadcast %jit3A_55 : f32 to vector<1024x2048xf32>
    %select_n3A_57 = arith.select %eq3A_54, %broadcast_in_dim3A_56, %select_n3A_41 : vector<1024x2048xi1>, vector<1024x2048xf32>
    %reduce_min3A_58 = arith.constant dense<0x7F800000> : vector<1024xf32>
    %reduce_min3A_59 = vector.multi_reduction <minimumf>, %select_n3A_57, %reduce_min3A_58 [1] : vector<1024x2048xf32> to vector<1024xf32>
    %broadcast_in_dim3A_60 = vector.shape_cast %reduce_min3A_59 : vector<1024xf32> to vector<1024x1xf32>
    %eq3A_61 = vector.broadcast %broadcast_in_dim3A_60 : vector<1024x1xf32> to vector<1024x2048xf32>
    %eq3A_62 = arith.cmpf oeq, %select_n3A_57, %eq3A_61 : vector<1024x2048xf32>
    %jit3A_63 = arith.constant 2048 : i32
    %broadcast_in_dim3A_64 = vector.broadcast %jit3A_63 : i32 to vector<1024x2048xi32>
    %select_n3A_65 = arith.select %eq3A_62, %iota3A, %broadcast_in_dim3A_64 : vector<1024x2048xi1>, vector<1024x2048xi32>
    %reduce_min3A_66 = arith.constant dense<2147483647> : vector<1024xi32>
    %reduce_min3A_67 = vector.multi_reduction <minsi>, %select_n3A_65, %reduce_min3A_66 [1] : vector<1024x2048xi32> to vector<1024xi32>
    %broadcast_in_dim3A_68 = vector.shape_cast %reduce_min3A_67 : vector<1024xi32> to vector<1024x1xi32>
    %eq3A_69 = vector.broadcast %broadcast_in_dim3A_68 : vector<1024x1xi32> to vector<1024x2048xi32>
    %eq3A_70 = arith.cmpi eq, %select_n3A_65, %eq3A_69 : vector<1024x2048xi32>
    %jit3A_71 = arith.constant 0x7F800000 : f32
    %broadcast_in_dim3A_72 = vector.broadcast %jit3A_71 : f32 to vector<1024x2048xf32>
    %select_n3A_73 = arith.select %eq3A_70, %broadcast_in_dim3A_72, %select_n3A_57 : vector<1024x2048xi1>, vector<1024x2048xf32>
    %reduce_min3A_74 = arith.constant dense<0x7F800000> : vector<1024xf32>
    %reduce_min3A_75 = vector.multi_reduction <minimumf>, %select_n3A_73, %reduce_min3A_74 [1] : vector<1024x2048xf32> to vector<1024xf32>
    %broadcast_in_dim3A_76 = vector.shape_cast %reduce_min3A_75 : vector<1024xf32> to vector<1024x1xf32>
    %eq3A_77 = vector.broadcast %broadcast_in_dim3A_76 : vector<1024x1xf32> to vector<1024x2048xf32>
    %eq3A_78 = arith.cmpf oeq, %select_n3A_73, %eq3A_77 : vector<1024x2048xf32>
    %jit3A_79 = arith.constant 2048 : i32
    %broadcast_in_dim3A_80 = vector.broadcast %jit3A_79 : i32 to vector<1024x2048xi32>
    %select_n3A_81 = arith.select %eq3A_78, %iota3A, %broadcast_in_dim3A_80 : vector<1024x2048xi1>, vector<1024x2048xi32>
    %reduce_min3A_82 = arith.constant dense<2147483647> : vector<1024xi32>
    %reduce_min3A_83 = vector.multi_reduction <minsi>, %select_n3A_81, %reduce_min3A_82 [1] : vector<1024x2048xi32> to vector<1024xi32>
    %broadcast_in_dim3A_84 = vector.shape_cast %reduce_min3A_83 : vector<1024xi32> to vector<1024x1xi32>
    %eq3A_85 = vector.broadcast %broadcast_in_dim3A_84 : vector<1024x1xi32> to vector<1024x2048xi32>
    %eq3A_86 = arith.cmpi eq, %select_n3A_81, %eq3A_85 : vector<1024x2048xi32>
    %jit3A_87 = arith.constant 0x7F800000 : f32
    %broadcast_in_dim3A_88 = vector.broadcast %jit3A_87 : f32 to vector<1024x2048xf32>
    %select_n3A_89 = arith.select %eq3A_86, %broadcast_in_dim3A_88, %select_n3A_73 : vector<1024x2048xi1>, vector<1024x2048xf32>
    %reduce_min3A_90 = arith.constant dense<0x7F800000> : vector<1024xf32>
    %reduce_min3A_91 = vector.multi_reduction <minimumf>, %select_n3A_89, %reduce_min3A_90 [1] : vector<1024x2048xf32> to vector<1024xf32>
    %broadcast_in_dim3A_92 = vector.shape_cast %reduce_min3A_91 : vector<1024xf32> to vector<1024x1xf32>
    %eq3A_93 = vector.broadcast %broadcast_in_dim3A_92 : vector<1024x1xf32> to vector<1024x2048xf32>
    %eq3A_94 = arith.cmpf oeq, %select_n3A_89, %eq3A_93 : vector<1024x2048xf32>
    %jit3A_95 = arith.constant 2048 : i32
    %broadcast_in_dim3A_96 = vector.broadcast %jit3A_95 : i32 to vector<1024x2048xi32>
    %select_n3A_97 = arith.select %eq3A_94, %iota3A, %broadcast_in_dim3A_96 : vector<1024x2048xi1>, vector<1024x2048xi32>
    %reduce_min3A_98 = arith.constant dense<2147483647> : vector<1024xi32>
    %reduce_min3A_99 = vector.multi_reduction <minsi>, %select_n3A_97, %reduce_min3A_98 [1] : vector<1024x2048xi32> to vector<1024xi32>
    %broadcast_in_dim3A_100 = vector.shape_cast %reduce_min3A_99 : vector<1024xi32> to vector<1024x1xi32>
    %eq3A_101 = vector.broadcast %broadcast_in_dim3A_100 : vector<1024x1xi32> to vector<1024x2048xi32>
    %eq3A_102 = arith.cmpi eq, %select_n3A_97, %eq3A_101 : vector<1024x2048xi32>
    %jit3A_103 = arith.constant 0x7F800000 : f32
    %broadcast_in_dim3A_104 = vector.broadcast %jit3A_103 : f32 to vector<1024x2048xf32>
    %select_n3A_105 = arith.select %eq3A_102, %broadcast_in_dim3A_104, %select_n3A_89 : vector<1024x2048xi1>, vector<1024x2048xf32>
    %reduce_min3A_106 = arith.constant dense<0x7F800000> : vector<1024xf32>
    %reduce_min3A_107 = vector.multi_reduction <minimumf>, %select_n3A_105, %reduce_min3A_106 [1] : vector<1024x2048xf32> to vector<1024xf32>
    %broadcast_in_dim3A_108 = vector.shape_cast %reduce_min3A_107 : vector<1024xf32> to vector<1024x1xf32>
    %eq3A_109 = vector.broadcast %broadcast_in_dim3A_108 : vector<1024x1xf32> to vector<1024x2048xf32>
    %eq3A_110 = arith.cmpf oeq, %select_n3A_105, %eq3A_109 : vector<1024x2048xf32>
    %jit3A_111 = arith.constant 2048 : i32
    %broadcast_in_dim3A_112 = vector.broadcast %jit3A_111 : i32 to vector<1024x2048xi32>
    %select_n3A_113 = arith.select %eq3A_110, %iota3A, %broadcast_in_dim3A_112 : vector<1024x2048xi1>, vector<1024x2048xi32>
    %reduce_min3A_114 = arith.constant dense<2147483647> : vector<1024xi32>
    %reduce_min3A_115 = vector.multi_reduction <minsi>, %select_n3A_113, %reduce_min3A_114 [1] : vector<1024x2048xi32> to vector<1024xi32>
    %broadcast_in_dim3A_116 = vector.shape_cast %reduce_min3A_115 : vector<1024xi32> to vector<1024x1xi32>
    %eq3A_117 = vector.broadcast %broadcast_in_dim3A_116 : vector<1024x1xi32> to vector<1024x2048xi32>
    %eq3A_118 = arith.cmpi eq, %select_n3A_113, %eq3A_117 : vector<1024x2048xi32>
    %jit3A_119 = arith.constant 0x7F800000 : f32
    %broadcast_in_dim3A_120 = vector.broadcast %jit3A_119 : f32 to vector<1024x2048xf32>
    %select_n3A_121 = arith.select %eq3A_118, %broadcast_in_dim3A_120, %select_n3A_105 : vector<1024x2048xi1>, vector<1024x2048xf32>
    %reduce_min3A_122 = arith.constant dense<0x7F800000> : vector<1024xf32>
    %reduce_min3A_123 = vector.multi_reduction <minimumf>, %select_n3A_121, %reduce_min3A_122 [1] : vector<1024x2048xf32> to vector<1024xf32>
    %broadcast_in_dim3A_124 = vector.shape_cast %reduce_min3A_123 : vector<1024xf32> to vector<1024x1xf32>
    %eq3A_125 = vector.broadcast %broadcast_in_dim3A_124 : vector<1024x1xf32> to vector<1024x2048xf32>
    %eq3A_126 = arith.cmpf oeq, %select_n3A_121, %eq3A_125 : vector<1024x2048xf32>
    %jit3A_127 = arith.constant 2048 : i32
    %broadcast_in_dim3A_128 = vector.broadcast %jit3A_127 : i32 to vector<1024x2048xi32>
    %select_n3A_129 = arith.select %eq3A_126, %iota3A, %broadcast_in_dim3A_128 : vector<1024x2048xi1>, vector<1024x2048xi32>
    %reduce_min3A_130 = arith.constant dense<2147483647> : vector<1024xi32>
    %reduce_min3A_131 = vector.multi_reduction <minsi>, %select_n3A_129, %reduce_min3A_130 [1] : vector<1024x2048xi32> to vector<1024xi32>
    %broadcast_in_dim3A_132 = vector.shape_cast %reduce_min3A_131 : vector<1024xi32> to vector<1024x1xi32>
    %concatenate3A = tpu.concatenate %add3A_25, %broadcast_in_dim3A_36, %broadcast_in_dim3A_52, %broadcast_in_dim3A_68, %broadcast_in_dim3A_84, %broadcast_in_dim3A_100, %broadcast_in_dim3A_116, %broadcast_in_dim3A_132 in 1 : vector<1024x1xi32>, vector<1024x1xi32>, vector<1024x1xi32>, vector<1024x1xi32>, vector<1024x1xi32>, vector<1024x1xi32>, vector<1024x1xi32>, vector<1024x1xi32> -> vector<1024x8xi32>
    %swap3A = arith.constant 0 : index
    %swap3A_133 = arith.constant 0 : index
    %swap3A_134 = arith.constant 0 : index
    %swap3A_135 = vector.load %arg4[%swap3A, %swap3A_133, %swap3A_134] : memref<1x1024x8xi32, #tpu.memory_space<vmem>>, vector<1x1024x8xi32>
    %swap3A_136 = vector.shape_cast %swap3A_135 : vector<1x1024x8xi32> to vector<1024x8xi32>
    %swap3A_137 = vector.shape_cast %concatenate3A : vector<1024x8xi32> to vector<1x1024x8xi32>
    tpu.vector_store %arg4[%swap3A, %swap3A_133, %swap3A_134], %swap3A_137 {strides = array<i32>} : memref<1x1024x8xi32, #tpu.memory_space<vmem>>, vector<1x1024x8xi32>,
    %mul3A_138 = arith.constant 2048 : i32
    %mul3A_139 = arith.muli %arg0, %mul3A_138 : i32
    %mul3A_140 = arith.constant 8 : i32
    %mul3A_141 = arith.muli %mul3A_139, %mul3A_140 : i32
    %mul3A_142 = arith.constant 8 : i32
    %mul3A_143 = vector.broadcast %mul3A_142 : i32 to vector<1024x1xi32>
    %mul3A_144 = arith.muli %broadcast_in_dim3A_36, %mul3A_143 : vector<1024x1xi32>
    %add3A_145 = arith.constant 0 : i32
    %add3A_146 = arith.addi %mul3A_141, %add3A_145 : i32
    %add3A_147 = vector.broadcast %add3A_146 : i32 to vector<1024x1xi32>
    %add3A_148 = arith.addi %mul3A_144, %add3A_147 : vector<1024x1xi32>
    %mul3A_149 = arith.constant 8 : i32
    %mul3A_150 = vector.broadcast %mul3A_149 : i32 to vector<1024x1xi32>
    %mul3A_151 = arith.muli %broadcast_in_dim3A_36, %mul3A_150 : vector<1024x1xi32>
    %add3A_152 = arith.constant 1 : i32
    %add3A_153 = arith.addi %mul3A_141, %add3A_152 : i32
    %add3A_154 = vector.broadcast %add3A_153 : i32 to vector<1024x1xi32>
    %add3A_155 = arith.addi %mul3A_151, %add3A_154 : vector<1024x1xi32>
    %mul3A_156 = arith.constant 8 : i32
    %mul3A_157 = vector.broadcast %mul3A_156 : i32 to vector<1024x1xi32>
    %mul3A_158 = arith.muli %broadcast_in_dim3A_36, %mul3A_157 : vector<1024x1xi32>
    %add3A_159 = arith.constant 2 : i32
    %add3A_160 = arith.addi %mul3A_141, %add3A_159 : i32
    %add3A_161 = vector.broadcast %add3A_160 : i32 to vector<1024x1xi32>
    %add3A_162 = arith.addi %mul3A_158, %add3A_161 : vector<1024x1xi32>
    %mul3A_163 = arith.constant 8 : i32
    %mul3A_164 = vector.broadcast %mul3A_163 : i32 to vector<1024x1xi32>
    %mul3A_165 = arith.muli %broadcast_in_dim3A_36, %mul3A_164 : vector<1024x1xi32>
    %add3A_166 = arith.constant 3 : i32
    %add3A_167 = arith.addi %mul3A_141, %add3A_166 : i32
    %add3A_168 = vector.broadcast %add3A_167 : i32 to vector<1024x1xi32>
    %add3A_169 = arith.addi %mul3A_165, %add3A_168 : vector<1024x1xi32>
    %mul3A_170 = arith.constant 8 : i32
    %mul3A_171 = vector.broadcast %mul3A_170 : i32 to vector<1024x1xi32>
    %mul3A_172 = arith.muli %broadcast_in_dim3A_36, %mul3A_171 : vector<1024x1xi32>
    %add3A_173 = arith.constant 4 : i32
    %add3A_174 = arith.addi %mul3A_141, %add3A_173 : i32
    %add3A_175 = vector.broadcast %add3A_174 : i32 to vector<1024x1xi32>
    %add3A_176 = arith.addi %mul3A_172, %add3A_175 : vector<1024x1xi32>
    %mul3A_177 = arith.constant 8 : i32
    %mul3A_178 = vector.broadcast %mul3A_177 : i32 to vector<1024x1xi32>
    %mul3A_179 = arith.muli %broadcast_in_dim3A_36, %mul3A_178 : vector<1024x1xi32>
    %add3A_180 = arith.constant 5 : i32
    %add3A_181 = arith.addi %mul3A_141, %add3A_180 : i32
    %add3A_182 = vector.broadcast %add3A_181 : i32 to vector<1024x1xi32>
    %add3A_183 = arith.addi %mul3A_179, %add3A_182 : vector<1024x1xi32>
    %mul3A_184 = arith.constant 8 : i32
    %mul3A_185 = vector.broadcast %mul3A_184 : i32 to vector<1024x1xi32>
    %mul3A_186 = arith.muli %broadcast_in_dim3A_36, %mul3A_185 : vector<1024x1xi32>
    %add3A_187 = arith.constant 6 : i32
    %add3A_188 = arith.addi %mul3A_141, %add3A_187 : i32
    %add3A_189 = vector.broadcast %add3A_188 : i32 to vector<1024x1xi32>
    %add3A_190 = arith.addi %mul3A_186, %add3A_189 : vector<1024x1xi32>
    %mul3A_191 = arith.constant 8 : i32
    %mul3A_192 = vector.broadcast %mul3A_191 : i32 to vector<1024x1xi32>
    %mul3A_193 = arith.muli %broadcast_in_dim3A_36, %mul3A_192 : vector<1024x1xi32>
    %add3A_194 = arith.constant 7 : i32
    %add3A_195 = arith.addi %mul3A_141, %add3A_194 : i32
    %add3A_196 = vector.broadcast %add3A_195 : i32 to vector<1024x1xi32>
    %add3A_197 = arith.addi %mul3A_193, %add3A_196 : vector<1024x1xi32>
    %mul3A_198 = arith.constant 8 : i32
    %mul3A_199 = vector.broadcast %mul3A_198 : i32 to vector<1024x1xi32>
    %mul3A_200 = arith.muli %broadcast_in_dim3A_52, %mul3A_199 : vector<1024x1xi32>
    %add3A_201 = arith.constant 0 : i32
    %add3A_202 = arith.addi %mul3A_141, %add3A_201 : i32
    %add3A_203 = vector.broadcast %add3A_202 : i32 to vector<1024x1xi32>
    %add3A_204 = arith.addi %mul3A_200, %add3A_203 : vector<1024x1xi32>
    %mul3A_205 = arith.constant 8 : i32
    %mul3A_206 = vector.broadcast %mul3A_205 : i32 to vector<1024x1xi32>
    %mul3A_207 = arith.muli %broadcast_in_dim3A_52, %mul3A_206 : vector<1024x1xi32>
    %add3A_208 = arith.constant 1 : i32
    %add3A_209 = arith.addi %mul3A_141, %add3A_208 : i32
    %add3A_210 = vector.broadcast %add3A_209 : i32 to vector<1024x1xi32>
    %add3A_211 = arith.addi %mul3A_207, %add3A_210 : vector<1024x1xi32>
    %mul3A_212 = arith.constant 8 : i32
    %mul3A_213 = vector.broadcast %mul3A_212 : i32 to vector<1024x1xi32>
    %mul3A_214 = arith.muli %broadcast_in_dim3A_52, %mul3A_213 : vector<1024x1xi32>
    %add3A_215 = arith.constant 2 : i32
    %add3A_216 = arith.addi %mul3A_141, %add3A_215 : i32
    %add3A_217 = vector.broadcast %add3A_216 : i32 to vector<1024x1xi32>
    %add3A_218 = arith.addi %mul3A_214, %add3A_217 : vector<1024x1xi32>
    %mul3A_219 = arith.constant 8 : i32
    %mul3A_220 = vector.broadcast %mul3A_219 : i32 to vector<1024x1xi32>
    %mul3A_221 = arith.muli %broadcast_in_dim3A_52, %mul3A_220 : vector<1024x1xi32>
    %add3A_222 = arith.constant 3 : i32
    %add3A_223 = arith.addi %mul3A_141, %add3A_222 : i32
    %add3A_224 = vector.broadcast %add3A_223 : i32 to vector<1024x1xi32>
    %add3A_225 = arith.addi %mul3A_221, %add3A_224 : vector<1024x1xi32>
    %mul3A_226 = arith.constant 8 : i32
    %mul3A_227 = vector.broadcast %mul3A_226 : i32 to vector<1024x1xi32>
    %mul3A_228 = arith.muli %broadcast_in_dim3A_52, %mul3A_227 : vector<1024x1xi32>
    %add3A_229 = arith.constant 4 : i32
    %add3A_230 = arith.addi %mul3A_141, %add3A_229 : i32
    %add3A_231 = vector.broadcast %add3A_230 : i32 to vector<1024x1xi32>
    %add3A_232 = arith.addi %mul3A_228, %add3A_231 : vector<1024x1xi32>
    %mul3A_233 = arith.constant 8 : i32
    %mul3A_234 = vector.broadcast %mul3A_233 : i32 to vector<1024x1xi32>
    %mul3A_235 = arith.muli %broadcast_in_dim3A_52, %mul3A_234 : vector<1024x1xi32>
    %add3A_236 = arith.constant 5 : i32
    %add3A_237 = arith.addi %mul3A_141, %add3A_236 : i32
    %add3A_238 = vector.broadcast %add3A_237 : i32 to vector<1024x1xi32>
    %add3A_239 = arith.addi %mul3A_235, %add3A_238 : vector<1024x1xi32>
    %mul3A_240 = arith.constant 8 : i32
    %mul3A_241 = vector.broadcast %mul3A_240 : i32 to vector<1024x1xi32>
    %mul3A_242 = arith.muli %broadcast_in_dim3A_52, %mul3A_241 : vector<1024x1xi32>
    %add3A_243 = arith.constant 6 : i32
    %add3A_244 = arith.addi %mul3A_141, %add3A_243 : i32
    %add3A_245 = vector.broadcast %add3A_244 : i32 to vector<1024x1xi32>
    %add3A_246 = arith.addi %mul3A_242, %add3A_245 : vector<1024x1xi32>
    %mul3A_247 = arith.constant 8 : i32
    %mul3A_248 = vector.broadcast %mul3A_247 : i32 to vector<1024x1xi32>
    %mul3A_249 = arith.muli %broadcast_in_dim3A_52, %mul3A_248 : vector<1024x1xi32>
    %add3A_250 = arith.constant 7 : i32
    %add3A_251 = arith.addi %mul3A_141, %add3A_250 : i32
    %add3A_252 = vector.broadcast %add3A_251 : i32 to vector<1024x1xi32>
    %add3A_253 = arith.addi %mul3A_249, %add3A_252 : vector<1024x1xi32>
    %mul3A_254 = arith.constant 8 : i32
    %mul3A_255 = vector.broadcast %mul3A_254 : i32 to vector<1024x1xi32>
    %mul3A_256 = arith.muli %broadcast_in_dim3A_68, %mul3A_255 : vector<1024x1xi32>
    %add3A_257 = arith.constant 0 : i32
    %add3A_258 = arith.addi %mul3A_141, %add3A_257 : i32
    %add3A_259 = vector.broadcast %add3A_258 : i32 to vector<1024x1xi32>
    %add3A_260 = arith.addi %mul3A_256, %add3A_259 : vector<1024x1xi32>
    %mul3A_261 = arith.constant 8 : i32
    %mul3A_262 = vector.broadcast %mul3A_261 : i32 to vector<1024x1xi32>
    %mul3A_263 = arith.muli %broadcast_in_dim3A_68, %mul3A_262 : vector<1024x1xi32>
    %add3A_264 = arith.constant 1 : i32
    %add3A_265 = arith.addi %mul3A_141, %add3A_264 : i32
    %add3A_266 = vector.broadcast %add3A_265 : i32 to vector<1024x1xi32>
    %add3A_267 = arith.addi %mul3A_263, %add3A_266 : vector<1024x1xi32>
    %mul3A_268 = arith.constant 8 : i32
    %mul3A_269 = vector.broadcast %mul3A_268 : i32 to vector<1024x1xi32>
    %mul3A_270 = arith.muli %broadcast_in_dim3A_68, %mul3A_269 : vector<1024x1xi32>
    %add3A_271 = arith.constant 2 : i32
    %add3A_272 = arith.addi %mul3A_141, %add3A_271 : i32
    %add3A_273 = vector.broadcast %add3A_272 : i32 to vector<1024x1xi32>
    %add3A_274 = arith.addi %mul3A_270, %add3A_273 : vector<1024x1xi32>
    %mul3A_275 = arith.constant 8 : i32
    %mul3A_276 = vector.broadcast %mul3A_275 : i32 to vector<1024x1xi32>
    %mul3A_277 = arith.muli %broadcast_in_dim3A_68, %mul3A_276 : vector<1024x1xi32>
    %add3A_278 = arith.constant 3 : i32
    %add3A_279 = arith.addi %mul3A_141, %add3A_278 : i32
    %add3A_280 = vector.broadcast %add3A_279 : i32 to vector<1024x1xi32>
    %add3A_281 = arith.addi %mul3A_277, %add3A_280 : vector<1024x1xi32>
    %mul3A_282 = arith.constant 8 : i32
    %mul3A_283 = vector.broadcast %mul3A_282 : i32 to vector<1024x1xi32>
    %mul3A_284 = arith.muli %broadcast_in_dim3A_68, %mul3A_283 : vector<1024x1xi32>
    %add3A_285 = arith.constant 4 : i32
    %add3A_286 = arith.addi %mul3A_141, %add3A_285 : i32
    %add3A_287 = vector.broadcast %add3A_286 : i32 to vector<1024x1xi32>
    %add3A_288 = arith.addi %mul3A_284, %add3A_287 : vector<1024x1xi32>
    %mul3A_289 = arith.constant 8 : i32
    %mul3A_290 = vector.broadcast %mul3A_289 : i32 to vector<1024x1xi32>
    %mul3A_291 = arith.muli %broadcast_in_dim3A_68, %mul3A_290 : vector<1024x1xi32>
    %add3A_292 = arith.constant 5 : i32
    %add3A_293 = arith.addi %mul3A_141, %add3A_292 : i32
    %add3A_294 = vector.broadcast %add3A_293 : i32 to vector<1024x1xi32>
    %add3A_295 = arith.addi %mul3A_291, %add3A_294 : vector<1024x1xi32>
    %mul3A_296 = arith.constant 8 : i32
    %mul3A_297 = vector.broadcast %mul3A_296 : i32 to vector<1024x1xi32>
    %mul3A_298 = arith.muli %broadcast_in_dim3A_68, %mul3A_297 : vector<1024x1xi32>
    %add3A_299 = arith.constant 6 : i32
    %add3A_300 = arith.addi %mul3A_141, %add3A_299 : i32
    %add3A_301 = vector.broadcast %add3A_300 : i32 to vector<1024x1xi32>
    %add3A_302 = arith.addi %mul3A_298, %add3A_301 : vector<1024x1xi32>
    %mul3A_303 = arith.constant 8 : i32
    %mul3A_304 = vector.broadcast %mul3A_303 : i32 to vector<1024x1xi32>
    %mul3A_305 = arith.muli %broadcast_in_dim3A_68, %mul3A_304 : vector<1024x1xi32>
    %add3A_306 = arith.constant 7 : i32
    %add3A_307 = arith.addi %mul3A_141, %add3A_306 : i32
    %add3A_308 = vector.broadcast %add3A_307 : i32 to vector<1024x1xi32>
    %add3A_309 = arith.addi %mul3A_305, %add3A_308 : vector<1024x1xi32>
    %mul3A_310 = arith.constant 8 : i32
    %mul3A_311 = vector.broadcast %mul3A_310 : i32 to vector<1024x1xi32>
    %mul3A_312 = arith.muli %broadcast_in_dim3A_84, %mul3A_311 : vector<1024x1xi32>
    %add3A_313 = arith.constant 0 : i32
    %add3A_314 = arith.addi %mul3A_141, %add3A_313 : i32
    %add3A_315 = vector.broadcast %add3A_314 : i32 to vector<1024x1xi32>
    %add3A_316 = arith.addi %mul3A_312, %add3A_315 : vector<1024x1xi32>
    %mul3A_317 = arith.constant 8 : i32
    %mul3A_318 = vector.broadcast %mul3A_317 : i32 to vector<1024x1xi32>
    %mul3A_319 = arith.muli %broadcast_in_dim3A_84, %mul3A_318 : vector<1024x1xi32>
    %add3A_320 = arith.constant 1 : i32
    %add3A_321 = arith.addi %mul3A_141, %add3A_320 : i32
    %add3A_322 = vector.broadcast %add3A_321 : i32 to vector<1024x1xi32>
    %add3A_323 = arith.addi %mul3A_319, %add3A_322 : vector<1024x1xi32>
    %mul3A_324 = arith.constant 8 : i32
    %mul3A_325 = vector.broadcast %mul3A_324 : i32 to vector<1024x1xi32>
    %mul3A_326 = arith.muli %broadcast_in_dim3A_84, %mul3A_325 : vector<1024x1xi32>
    %add3A_327 = arith.constant 2 : i32
    %add3A_328 = arith.addi %mul3A_141, %add3A_327 : i32
    %add3A_329 = vector.broadcast %add3A_328 : i32 to vector<1024x1xi32>
    %add3A_330 = arith.addi %mul3A_326, %add3A_329 : vector<1024x1xi32>
    %mul3A_331 = arith.constant 8 : i32
    %mul3A_332 = vector.broadcast %mul3A_331 : i32 to vector<1024x1xi32>
    %mul3A_333 = arith.muli %broadcast_in_dim3A_84, %mul3A_332 : vector<1024x1xi32>
    %add3A_334 = arith.constant 3 : i32
    %add3A_335 = arith.addi %mul3A_141, %add3A_334 : i32
    %add3A_336 = vector.broadcast %add3A_335 : i32 to vector<1024x1xi32>
    %add3A_337 = arith.addi %mul3A_333, %add3A_336 : vector<1024x1xi32>
    %mul3A_338 = arith.constant 8 : i32
    %mul3A_339 = vector.broadcast %mul3A_338 : i32 to vector<1024x1xi32>
    %mul3A_340 = arith.muli %broadcast_in_dim3A_84, %mul3A_339 : vector<1024x1xi32>
    %add3A_341 = arith.constant 4 : i32
    %add3A_342 = arith.addi %mul3A_141, %add3A_341 : i32
    %add3A_343 = vector.broadcast %add3A_342 : i32 to vector<1024x1xi32>
    %add3A_344 = arith.addi %mul3A_340, %add3A_343 : vector<1024x1xi32>
    %mul3A_345 = arith.constant 8 : i32
    %mul3A_346 = vector.broadcast %mul3A_345 : i32 to vector<1024x1xi32>
    %mul3A_347 = arith.muli %broadcast_in_dim3A_84, %mul3A_346 : vector<1024x1xi32>
    %add3A_348 = arith.constant 5 : i32
    %add3A_349 = arith.addi %mul3A_141, %add3A_348 : i32
    %add3A_350 = vector.broadcast %add3A_349 : i32 to vector<1024x1xi32>
    %add3A_351 = arith.addi %mul3A_347, %add3A_350 : vector<1024x1xi32>
    %mul3A_352 = arith.constant 8 : i32
    %mul3A_353 = vector.broadcast %mul3A_352 : i32 to vector<1024x1xi32>
    %mul3A_354 = arith.muli %broadcast_in_dim3A_84, %mul3A_353 : vector<1024x1xi32>
    %add3A_355 = arith.constant 6 : i32
    %add3A_356 = arith.addi %mul3A_141, %add3A_355 : i32
    %add3A_357 = vector.broadcast %add3A_356 : i32 to vector<1024x1xi32>
    %add3A_358 = arith.addi %mul3A_354, %add3A_357 : vector<1024x1xi32>
    %mul3A_359 = arith.constant 8 : i32
    %mul3A_360 = vector.broadcast %mul3A_359 : i32 to vector<1024x1xi32>
    %mul3A_361 = arith.muli %broadcast_in_dim3A_84, %mul3A_360 : vector<1024x1xi32>
    %add3A_362 = arith.constant 7 : i32
    %add3A_363 = arith.addi %mul3A_141, %add3A_362 : i32
    %add3A_364 = vector.broadcast %add3A_363 : i32 to vector<1024x1xi32>
    %add3A_365 = arith.addi %mul3A_361, %add3A_364 : vector<1024x1xi32>
    %mul3A_366 = arith.constant 8 : i32
    %mul3A_367 = vector.broadcast %mul3A_366 : i32 to vector<1024x1xi32>
    %mul3A_368 = arith.muli %broadcast_in_dim3A_100, %mul3A_367 : vector<1024x1xi32>
    %add3A_369 = arith.constant 0 : i32
    %add3A_370 = arith.addi %mul3A_141, %add3A_369 : i32
    %add3A_371 = vector.broadcast %add3A_370 : i32 to vector<1024x1xi32>
    %add3A_372 = arith.addi %mul3A_368, %add3A_371 : vector<1024x1xi32>
    %mul3A_373 = arith.constant 8 : i32
    %mul3A_374 = vector.broadcast %mul3A_373 : i32 to vector<1024x1xi32>
    %mul3A_375 = arith.muli %broadcast_in_dim3A_100, %mul3A_374 : vector<1024x1xi32>
    %add3A_376 = arith.constant 1 : i32
    %add3A_377 = arith.addi %mul3A_141, %add3A_376 : i32
    %add3A_378 = vector.broadcast %add3A_377 : i32 to vector<1024x1xi32>
    %add3A_379 = arith.addi %mul3A_375, %add3A_378 : vector<1024x1xi32>
    %mul3A_380 = arith.constant 8 : i32
    %mul3A_381 = vector.broadcast %mul3A_380 : i32 to vector<1024x1xi32>
    %mul3A_382 = arith.muli %broadcast_in_dim3A_100, %mul3A_381 : vector<1024x1xi32>
    %add3A_383 = arith.constant 2 : i32
    %add3A_384 = arith.addi %mul3A_141, %add3A_383 : i32
    %add3A_385 = vector.broadcast %add3A_384 : i32 to vector<1024x1xi32>
    %add3A_386 = arith.addi %mul3A_382, %add3A_385 : vector<1024x1xi32>
    %mul3A_387 = arith.constant 8 : i32
    %mul3A_388 = vector.broadcast %mul3A_387 : i32 to vector<1024x1xi32>
    %mul3A_389 = arith.muli %broadcast_in_dim3A_100, %mul3A_388 : vector<1024x1xi32>
    %add3A_390 = arith.constant 3 : i32
    %add3A_391 = arith.addi %mul3A_141, %add3A_390 : i32
    %add3A_392 = vector.broadcast %add3A_391 : i32 to vector<1024x1xi32>
    %add3A_393 = arith.addi %mul3A_389, %add3A_392 : vector<1024x1xi32>
    %mul3A_394 = arith.constant 8 : i32
    %mul3A_395 = vector.broadcast %mul3A_394 : i32 to vector<1024x1xi32>
    %mul3A_396 = arith.muli %broadcast_in_dim3A_100, %mul3A_395 : vector<1024x1xi32>
    %add3A_397 = arith.constant 4 : i32
    %add3A_398 = arith.addi %mul3A_141, %add3A_397 : i32
    %add3A_399 = vector.broadcast %add3A_398 : i32 to vector<1024x1xi32>
    %add3A_400 = arith.addi %mul3A_396, %add3A_399 : vector<1024x1xi32>
    %mul3A_401 = arith.constant 8 : i32
    %mul3A_402 = vector.broadcast %mul3A_401 : i32 to vector<1024x1xi32>
    %mul3A_403 = arith.muli %broadcast_in_dim3A_100, %mul3A_402 : vector<1024x1xi32>
    %add3A_404 = arith.constant 5 : i32
    %add3A_405 = arith.addi %mul3A_141, %add3A_404 : i32
    %add3A_406 = vector.broadcast %add3A_405 : i32 to vector<1024x1xi32>
    %add3A_407 = arith.addi %mul3A_403, %add3A_406 : vector<1024x1xi32>
    %mul3A_408 = arith.constant 8 : i32
    %mul3A_409 = vector.broadcast %mul3A_408 : i32 to vector<1024x1xi32>
    %mul3A_410 = arith.muli %broadcast_in_dim3A_100, %mul3A_409 : vector<1024x1xi32>
    %add3A_411 = arith.constant 6 : i32
    %add3A_412 = arith.addi %mul3A_141, %add3A_411 : i32
    %add3A_413 = vector.broadcast %add3A_412 : i32 to vector<1024x1xi32>
    %add3A_414 = arith.addi %mul3A_410, %add3A_413 : vector<1024x1xi32>
    %mul3A_415 = arith.constant 8 : i32
    %mul3A_416 = vector.broadcast %mul3A_415 : i32 to vector<1024x1xi32>
    %mul3A_417 = arith.muli %broadcast_in_dim3A_100, %mul3A_416 : vector<1024x1xi32>
    %add3A_418 = arith.constant 7 : i32
    %add3A_419 = arith.addi %mul3A_141, %add3A_418 : i32
    %add3A_420 = vector.broadcast %add3A_419 : i32 to vector<1024x1xi32>
    %add3A_421 = arith.addi %mul3A_417, %add3A_420 : vector<1024x1xi32>
    %mul3A_422 = arith.constant 8 : i32
    %mul3A_423 = vector.broadcast %mul3A_422 : i32 to vector<1024x1xi32>
    %mul3A_424 = arith.muli %broadcast_in_dim3A_116, %mul3A_423 : vector<1024x1xi32>
    %add3A_425 = arith.constant 0 : i32
    %add3A_426 = arith.addi %mul3A_141, %add3A_425 : i32
    %add3A_427 = vector.broadcast %add3A_426 : i32 to vector<1024x1xi32>
    %add3A_428 = arith.addi %mul3A_424, %add3A_427 : vector<1024x1xi32>
    %mul3A_429 = arith.constant 8 : i32
    %mul3A_430 = vector.broadcast %mul3A_429 : i32 to vector<1024x1xi32>
    %mul3A_431 = arith.muli %broadcast_in_dim3A_116, %mul3A_430 : vector<1024x1xi32>
    %add3A_432 = arith.constant 1 : i32
    %add3A_433 = arith.addi %mul3A_141, %add3A_432 : i32
    %add3A_434 = vector.broadcast %add3A_433 : i32 to vector<1024x1xi32>
    %add3A_435 = arith.addi %mul3A_431, %add3A_434 : vector<1024x1xi32>
    %mul3A_436 = arith.constant 8 : i32
    %mul3A_437 = vector.broadcast %mul3A_436 : i32 to vector<1024x1xi32>
    %mul3A_438 = arith.muli %broadcast_in_dim3A_116, %mul3A_437 : vector<1024x1xi32>
    %add3A_439 = arith.constant 2 : i32
    %add3A_440 = arith.addi %mul3A_141, %add3A_439 : i32
    %add3A_441 = vector.broadcast %add3A_440 : i32 to vector<1024x1xi32>
    %add3A_442 = arith.addi %mul3A_438, %add3A_441 : vector<1024x1xi32>
    %mul3A_443 = arith.constant 8 : i32
    %mul3A_444 = vector.broadcast %mul3A_443 : i32 to vector<1024x1xi32>
    %mul3A_445 = arith.muli %broadcast_in_dim3A_116, %mul3A_444 : vector<1024x1xi32>
    %add3A_446 = arith.constant 3 : i32
    %add3A_447 = arith.addi %mul3A_141, %add3A_446 : i32
    %add3A_448 = vector.broadcast %add3A_447 : i32 to vector<1024x1xi32>
    %add3A_449 = arith.addi %mul3A_445, %add3A_448 : vector<1024x1xi32>
    %mul3A_450 = arith.constant 8 : i32
    %mul3A_451 = vector.broadcast %mul3A_450 : i32 to vector<1024x1xi32>
    %mul3A_452 = arith.muli %broadcast_in_dim3A_116, %mul3A_451 : vector<1024x1xi32>
    %add3A_453 = arith.constant 4 : i32
    %add3A_454 = arith.addi %mul3A_141, %add3A_453 : i32
    %add3A_455 = vector.broadcast %add3A_454 : i32 to vector<1024x1xi32>
    %add3A_456 = arith.addi %mul3A_452, %add3A_455 : vector<1024x1xi32>
    %mul3A_457 = arith.constant 8 : i32
    %mul3A_458 = vector.broadcast %mul3A_457 : i32 to vector<1024x1xi32>
    %mul3A_459 = arith.muli %broadcast_in_dim3A_116, %mul3A_458 : vector<1024x1xi32>
    %add3A_460 = arith.constant 5 : i32
    %add3A_461 = arith.addi %mul3A_141, %add3A_460 : i32
    %add3A_462 = vector.broadcast %add3A_461 : i32 to vector<1024x1xi32>
    %add3A_463 = arith.addi %mul3A_459, %add3A_462 : vector<1024x1xi32>
    %mul3A_464 = arith.constant 8 : i32
    %mul3A_465 = vector.broadcast %mul3A_464 : i32 to vector<1024x1xi32>
    %mul3A_466 = arith.muli %broadcast_in_dim3A_116, %mul3A_465 : vector<1024x1xi32>
    %add3A_467 = arith.constant 6 : i32
    %add3A_468 = arith.addi %mul3A_141, %add3A_467 : i32
    %add3A_469 = vector.broadcast %add3A_468 : i32 to vector<1024x1xi32>
    %add3A_470 = arith.addi %mul3A_466, %add3A_469 : vector<1024x1xi32>
    %mul3A_471 = arith.constant 8 : i32
    %mul3A_472 = vector.broadcast %mul3A_471 : i32 to vector<1024x1xi32>
    %mul3A_473 = arith.muli %broadcast_in_dim3A_116, %mul3A_472 : vector<1024x1xi32>
    %add3A_474 = arith.constant 7 : i32
    %add3A_475 = arith.addi %mul3A_141, %add3A_474 : i32
    %add3A_476 = vector.broadcast %add3A_475 : i32 to vector<1024x1xi32>
    %add3A_477 = arith.addi %mul3A_473, %add3A_476 : vector<1024x1xi32>
    %mul3A_478 = arith.constant 8 : i32
    %mul3A_479 = vector.broadcast %mul3A_478 : i32 to vector<1024x1xi32>
    %mul3A_480 = arith.muli %broadcast_in_dim3A_132, %mul3A_479 : vector<1024x1xi32>
    %add3A_481 = arith.constant 0 : i32
    %add3A_482 = arith.addi %mul3A_141, %add3A_481 : i32
    %add3A_483 = vector.broadcast %add3A_482 : i32 to vector<1024x1xi32>
    %add3A_484 = arith.addi %mul3A_480, %add3A_483 : vector<1024x1xi32>
    %mul3A_485 = arith.constant 8 : i32
    %mul3A_486 = vector.broadcast %mul3A_485 : i32 to vector<1024x1xi32>
    %mul3A_487 = arith.muli %broadcast_in_dim3A_132, %mul3A_486 : vector<1024x1xi32>
    %add3A_488 = arith.constant 1 : i32
    %add3A_489 = arith.addi %mul3A_141, %add3A_488 : i32
    %add3A_490 = vector.broadcast %add3A_489 : i32 to vector<1024x1xi32>
    %add3A_491 = arith.addi %mul3A_487, %add3A_490 : vector<1024x1xi32>
    %mul3A_492 = arith.constant 8 : i32
    %mul3A_493 = vector.broadcast %mul3A_492 : i32 to vector<1024x1xi32>
    %mul3A_494 = arith.muli %broadcast_in_dim3A_132, %mul3A_493 : vector<1024x1xi32>
    %add3A_495 = arith.constant 2 : i32
    %add3A_496 = arith.addi %mul3A_141, %add3A_495 : i32
    %add3A_497 = vector.broadcast %add3A_496 : i32 to vector<1024x1xi32>
    %add3A_498 = arith.addi %mul3A_494, %add3A_497 : vector<1024x1xi32>
    %mul3A_499 = arith.constant 8 : i32
    %mul3A_500 = vector.broadcast %mul3A_499 : i32 to vector<1024x1xi32>
    %mul3A_501 = arith.muli %broadcast_in_dim3A_132, %mul3A_500 : vector<1024x1xi32>
    %add3A_502 = arith.constant 3 : i32
    %add3A_503 = arith.addi %mul3A_141, %add3A_502 : i32
    %add3A_504 = vector.broadcast %add3A_503 : i32 to vector<1024x1xi32>
    %add3A_505 = arith.addi %mul3A_501, %add3A_504 : vector<1024x1xi32>
    %mul3A_506 = arith.constant 8 : i32
    %mul3A_507 = vector.broadcast %mul3A_506 : i32 to vector<1024x1xi32>
    %mul3A_508 = arith.muli %broadcast_in_dim3A_132, %mul3A_507 : vector<1024x1xi32>
    %add3A_509 = arith.constant 4 : i32
    %add3A_510 = arith.addi %mul3A_141, %add3A_509 : i32
    %add3A_511 = vector.broadcast %add3A_510 : i32 to vector<1024x1xi32>
    %add3A_512 = arith.addi %mul3A_508, %add3A_511 : vector<1024x1xi32>
    %mul3A_513 = arith.constant 8 : i32
    %mul3A_514 = vector.broadcast %mul3A_513 : i32 to vector<1024x1xi32>
    %mul3A_515 = arith.muli %broadcast_in_dim3A_132, %mul3A_514 : vector<1024x1xi32>
    %add3A_516 = arith.constant 5 : i32
    %add3A_517 = arith.addi %mul3A_141, %add3A_516 : i32
    %add3A_518 = vector.broadcast %add3A_517 : i32 to vector<1024x1xi32>
    %add3A_519 = arith.addi %mul3A_515, %add3A_518 : vector<1024x1xi32>
    %mul3A_520 = arith.constant 8 : i32
    %mul3A_521 = vector.broadcast %mul3A_520 : i32 to vector<1024x1xi32>
    %mul3A_522 = arith.muli %broadcast_in_dim3A_132, %mul3A_521 : vector<1024x1xi32>
    %add3A_523 = arith.constant 6 : i32
    %add3A_524 = arith.addi %mul3A_141, %add3A_523 : i32
    %add3A_525 = vector.broadcast %add3A_524 : i32 to vector<1024x1xi32>
    %add3A_526 = arith.addi %mul3A_522, %add3A_525 : vector<1024x1xi32>
    %mul3A_527 = arith.constant 8 : i32
    %mul3A_528 = vector.broadcast %mul3A_527 : i32 to vector<1024x1xi32>
    %mul3A_529 = arith.muli %broadcast_in_dim3A_132, %mul3A_528 : vector<1024x1xi32>
    %add3A_530 = arith.constant 7 : i32
    %add3A_531 = arith.addi %mul3A_141, %add3A_530 : i32
    %add3A_532 = vector.broadcast %add3A_531 : i32 to vector<1024x1xi32>
    %add3A_533 = arith.addi %mul3A_529, %add3A_532 : vector<1024x1xi32>
    %concatenate3A_534 = tpu.concatenate %add3A_148, %add3A_155, %add3A_162, %add3A_169, %add3A_176, %add3A_183, %add3A_190, %add3A_197, %add3A_204, %add3A_211, %add3A_218, %add3A_225, %add3A_232, %add3A_239, %add3A_246, %add3A_253, %add3A_260, %add3A_267, %add3A_274, %add3A_281, %add3A_288, %add3A_295, %add3A_302, %add3A_309, %add3A_316, %add3A_323, %add3A_330, %add3A_337, %add3A_344, %add3A_351, %add3A_358, %add3A_365, %add3A_372, %add3A_379, %add3A_386, %add3A_393, %add3A_400, %add3A_407, %add3A_414, %add3A_421, %add3A_428, %add3A_435, %add3A_442, %add3A_449, %add3A_456, %add3A_463, %add3A_470, %add3A_477, %add3A_484, %add3A_491, %add3A_498, %add3A_505, %add3A_512, %add3A_519, %add3A_526, %add3A_533 in 1 : vector<1024x1xi32>, vector<1024x1xi32>, vector<1024x1xi32>, vector<1024x1xi32>, vector<1024x1xi32>, vector<1024x1xi32>, vector<1024x1xi32>, vector<1024x1xi32>, vector<1024x1xi32>, vector<1024x1xi32>, vector<1024x1xi32>, vector<1024x1xi32>, vector<1024x1xi32>, vector<1024x1xi32>, vector<1024x1xi32>, vector<1024x1xi32>, vector<1024x1xi32>, vector<1024x1xi32>, vector<1024x1xi32>, vector<1024x1xi32>, vector<1024x1xi32>, vector<1024x1xi32>, vector<1024x1xi32>, vector<1024x1xi32>, vector<1024x1xi32>, vector<1024x1xi32>, vector<1024x1xi32>, vector<1024x1xi32>, vector<1024x1xi32>, vector<1024x1xi32>, vector<1024x1xi32>, vector<1024x1xi32>, vector<1024x1xi32>, vector<1024x1xi32>, vector<1024x1xi32>, vector<1024x1xi32>, vector<1024x1xi32>, vector<1024x1xi32>, vector<1024x1xi32>, vector<1024x1xi32>, vector<1024x1xi32>, vector<1024x1xi32>, vector<1024x1xi32>, vector<1024x1xi32>, vector<1024x1xi32>, vector<1024x1xi32>, vector<1024x1xi32>, vector<1024x1xi32>, vector<1024x1xi32>, vector<1024x1xi32>, vector<1024x1xi32>, vector<1024x1xi32>, vector<1024x1xi32>, vector<1024x1xi32>, vector<1024x1xi32>, vector<1024x1xi32> -> vector<1024x56xi32>
    %swap3A_535 = arith.constant 0 : index
    %swap3A_536 = arith.constant 0 : index
    %swap3A_537 = arith.constant 0 : index
    %swap3A_538 = vector.load %arg5[%swap3A_535, %swap3A_536, %swap3A_537] : memref<1x1024x56xi32, #tpu.memory_space<vmem>>, vector<1x1024x56xi32>
    %swap3A_539 = vector.shape_cast %swap3A_538 : vector<1x1024x56xi32> to vector<1024x56xi32>
    %swap3A_540 = vector.shape_cast %concatenate3A_534 : vector<1024x56xi32> to vector<1x1024x56xi32>
    tpu.vector_store %arg5[%swap3A_535, %swap3A_536, %swap3A_537], %swap3A_540 {strides = array<i32>} : memref<1x1024x56xi32, #tpu.memory_space<vmem>>, vector<1x1024x56xi32>,
    return
  }
  func.func @transform_0(%arg0: i32, %arg1: i32) -> (i32, i32, i32) {
    %c0_i32 = arith.constant 0 : i32
    %c0_i32_0 = arith.constant 0 : i32
    return %arg0, %arg1, %c0_i32 : i32, i32, i32
  }
  func.func @transform_1(%arg0: i32, %arg1: i32) -> (i32, i32, i32) {
    %c0_i32 = arith.constant 0 : i32
    %c0_i32_0 = arith.constant 0 : i32
    %c0_i32_1 = arith.constant 0 : i32
    return %arg0, %c0_i32, %c0_i32_0 : i32, i32, i32
  }
  func.func @transform_2(%arg0: i32, %arg1: i32) -> (i32, i32, i32) {
    %c0_i32 = arith.constant 0 : i32
    %c0_i32_0 = arith.constant 0 : i32
    return %arg0, %arg1, %c0_i32 : i32, i32, i32
  }
  func.func @transform_3(%arg0: i32, %arg1: i32) -> (i32, i32, i32) {
    %c0_i32 = arith.constant 0 : i32
    %c0_i32_0 = arith.constant 0 : i32
    return %arg0, %arg1, %c0_i32 : i32, i32, i32
  }
}

module attributes {stable_mosaic.version = 14 : i64} {
  func.func @_umbrella_kernel(%arg0: i32, %arg1: i32, %arg2: memref<1x512x56xf32, #tpu.memory_space<vmem>>, %arg3: memref<1x2x512xf32, #tpu.memory_space<vmem>>, %arg4: memref<1x3x512xf32, #tpu.memory_space<vmem>>, %arg5: memref<1x512x7xi32, #tpu.memory_space<vmem>>, %arg6: memref<1x512x6xf32, #tpu.memory_space<vmem>>, %arg7: memref<1x512x196xf32, #tpu.memory_space<vmem>>) attributes {dimension_semantics = [#tpu.dimension_semantics<arbitrary>, #tpu.dimension_semantics<arbitrary>], iteration_bounds = array<i64: 4, 4>, scalar_prefetch = 0 : i64, scratch_operands = 0 : i64, tpu.core_type = #tpu.core_type<tc>, window_params = [{transform_indices = @transform_0, window_bounds = array<i64: 1, 512, 56>}, {transform_indices = @transform_1, window_bounds = array<i64: 1, 2, 512>}, {transform_indices = @transform_2, window_bounds = array<i64: 1, 3, 512>}, {transform_indices = @transform_3, window_bounds = array<i64: 1, 512, 7>}, {transform_indices = @transform_4, window_bounds = array<i64: 1, 512, 6>}, {transform_indices = @transform_5, window_bounds = array<i64: 1, 512, 196>}]} {
    %get3A = arith.constant 0 : index
    %get3A_0 = arith.constant 0 : index
    %get3A_1 = arith.constant 0 : index
    %get3A_2 = vector.load %arg2[%get3A, %get3A_0, %get3A_1] : memref<1x512x56xf32, #tpu.memory_space<vmem>>, vector<1x512x56xf32>
    %get3A_3 = vector.shape_cast %get3A_2 : vector<1x512x56xf32> to vector<512x56xf32>
    %transpose3A = tpu.transpose %get3A_3, [1, 0] : vector<512x56xf32> -> vector<56x512xf32>
    %reshape3A = vector.shape_cast %transpose3A : vector<56x512xf32> to vector<7x8x512xf32>
    %slice3A = vector.extract_strided_slice %reshape3A {offsets = [0, 0, 0], sizes = [7, 1, 512], strides = [1, 1, 1]} : vector<7x8x512xf32> to vector<7x1x512xf32>
    %squeeze3A = vector.shape_cast %slice3A : vector<7x1x512xf32> to vector<7x512xf32>
    %slice3A_4 = vector.extract_strided_slice %reshape3A {offsets = [0, 1, 0], sizes = [7, 1, 512], strides = [1, 1, 1]} : vector<7x8x512xf32> to vector<7x1x512xf32>
    %squeeze3A_5 = vector.shape_cast %slice3A_4 : vector<7x1x512xf32> to vector<7x512xf32>
    %slice3A_6 = vector.extract_strided_slice %reshape3A {offsets = [0, 2, 0], sizes = [7, 1, 512], strides = [1, 1, 1]} : vector<7x8x512xf32> to vector<7x1x512xf32>
    %squeeze3A_7 = vector.shape_cast %slice3A_6 : vector<7x1x512xf32> to vector<7x512xf32>
    %slice3A_8 = vector.extract_strided_slice %reshape3A {offsets = [0, 3, 0], sizes = [7, 1, 512], strides = [1, 1, 1]} : vector<7x8x512xf32> to vector<7x1x512xf32>
    %squeeze3A_9 = vector.shape_cast %slice3A_8 : vector<7x1x512xf32> to vector<7x512xf32>
    %slice3A_10 = vector.extract_strided_slice %reshape3A {offsets = [0, 4, 0], sizes = [7, 1, 512], strides = [1, 1, 1]} : vector<7x8x512xf32> to vector<7x1x512xf32>
    %squeeze3A_11 = vector.shape_cast %slice3A_10 : vector<7x1x512xf32> to vector<7x512xf32>
    %get3A_12 = arith.constant 0 : index
    %get3A_13 = arith.constant 0 : index
    %get3A_14 = arith.constant 0 : index
    %get3A_15 = vector.load %arg3[%get3A_12, %get3A_13, %get3A_14] : memref<1x2x512xf32, #tpu.memory_space<vmem>>, vector<1x1x512xf32>
    %get3A_16 = vector.shape_cast %get3A_15 : vector<1x1x512xf32> to vector<1x512xf32>
    %get3A_17 = arith.constant 0 : index
    %get3A_18 = arith.constant 1 : index
    %get3A_19 = arith.constant 0 : index
    %get3A_20 = vector.load %arg3[%get3A_17, %get3A_18, %get3A_19] : memref<1x2x512xf32, #tpu.memory_space<vmem>>, vector<1x1x512xf32>
    %get3A_21 = vector.shape_cast %get3A_20 : vector<1x1x512xf32> to vector<1x512xf32>
    %get3A_22 = arith.constant 0 : index
    %get3A_23 = arith.constant 0 : index
    %get3A_24 = arith.constant 0 : index
    %get3A_25 = vector.load %arg4[%get3A_22, %get3A_23, %get3A_24] : memref<1x3x512xf32, #tpu.memory_space<vmem>>, vector<1x1x512xf32>
    %get3A_26 = vector.shape_cast %get3A_25 : vector<1x1x512xf32> to vector<1x512xf32>
    %get3A_27 = arith.constant 0 : index
    %get3A_28 = arith.constant 1 : index
    %get3A_29 = arith.constant 0 : index
    %get3A_30 = vector.load %arg4[%get3A_27, %get3A_28, %get3A_29] : memref<1x3x512xf32, #tpu.memory_space<vmem>>, vector<1x1x512xf32>
    %get3A_31 = vector.shape_cast %get3A_30 : vector<1x1x512xf32> to vector<1x512xf32>
    %get3A_32 = arith.constant 0 : index
    %get3A_33 = arith.constant 2 : index
    %get3A_34 = arith.constant 0 : index
    %get3A_35 = vector.load %arg4[%get3A_32, %get3A_33, %get3A_34] : memref<1x3x512xf32, #tpu.memory_space<vmem>>, vector<1x1x512xf32>
    %get3A_36 = vector.shape_cast %get3A_35 : vector<1x1x512xf32> to vector<1x512xf32>
    %sub3A = vector.broadcast %get3A_16 : vector<1x512xf32> to vector<7x512xf32>
    %sub3A_37 = arith.subf %squeeze3A, %sub3A : vector<7x512xf32>
    %sub3A_38 = vector.broadcast %get3A_21 : vector<1x512xf32> to vector<7x512xf32>
    %sub3A_39 = arith.subf %squeeze3A_5, %sub3A_38 : vector<7x512xf32>
    %atan23A = math.atan2 %sub3A_39, %sub3A_37 : vector<7x512xf32>
    %div3A = arith.constant 6.28318548 : f32
    %div3A_40 = vector.broadcast %div3A : f32 to vector<7x512xf32>
    %div3A_41 = arith.divf %atan23A, %div3A_40 : vector<7x512xf32>
    %add3A = arith.constant 5.000000e-01 : f32
    %add3A_42 = vector.broadcast %add3A : f32 to vector<7x512xf32>
    %add3A_43 = arith.addf %div3A_41, %add3A_42 : vector<7x512xf32>
    %iota3A = tpu.iota {dimensions = array<i32: 0>} : vector<7x1xi32>
    %broadcast_in_dim3A = arith.constant 0 : i32
    %broadcast_in_dim3A_44 = vector.broadcast %broadcast_in_dim3A : i32 to vector<7x512xi32>
    %slice3A_45 = vector.extract_strided_slice %add3A_43 {offsets = [0, 0], sizes = [1, 512], strides = [1, 1]} : vector<7x512xf32> to vector<1x512xf32>
    %lt3A = vector.broadcast %slice3A_45 : vector<1x512xf32> to vector<7x512xf32>
    %lt3A_46 = arith.cmpf olt, %add3A_43, %lt3A : vector<7x512xf32>
    %eq3A = vector.broadcast %slice3A_45 : vector<1x512xf32> to vector<7x512xf32>
    %eq3A_47 = arith.cmpf oeq, %add3A_43, %eq3A : vector<7x512xf32>
    %lt3A_48 = arith.constant 0 : i32
    %lt3A_49 = vector.broadcast %lt3A_48 : i32 to vector<7x1xi32>
    %lt3A_50 = arith.cmpi slt, %iota3A, %lt3A_49 : vector<7x1xi32>
    %and3A = vector.broadcast %lt3A_50 : vector<7x1xi1> to vector<7x512xi1>
    %and3A_51 = arith.andi %eq3A_47, %and3A : vector<7x512xi1>
    %or3A = arith.ori %lt3A_46, %and3A_51 : vector<7x512xi1>
    %convert_element_type3A = arith.extui %or3A : vector<7x512xi1> to vector<7x512xi32>
    %reduce_sum3A = arith.constant dense<0> : vector<512xi32>
    %reduce_sum3A_52 = vector.multi_reduction <add>, %convert_element_type3A, %reduce_sum3A [0] : vector<7x512xi32> to vector<512xi32>
    %broadcast_in_dim3A_53 = vector.shape_cast %reduce_sum3A_52 : vector<512xi32> to vector<1x512xi32>
    %eq3A_54 = arith.constant 0 : i32
    %eq3A_55 = vector.broadcast %eq3A_54 : i32 to vector<7x1xi32>
    %eq3A_56 = arith.cmpi eq, %iota3A, %eq3A_55 : vector<7x1xi32>
    %broadcast_in_dim3A_57 = vector.shape_cast %eq3A_56 : vector<7x1xi1> to vector<7x1xi1>
    %broadcast_in_dim3A_58 = vector.broadcast %broadcast_in_dim3A_57 : vector<7x1xi1> to vector<7x512xi1>
    %broadcast_in_dim3A_59 = vector.shape_cast %broadcast_in_dim3A_53 : vector<1x512xi32> to vector<1x512xi32>
    %broadcast_in_dim3A_60 = vector.broadcast %broadcast_in_dim3A_59 : vector<1x512xi32> to vector<7x512xi32>
    %select_n3A = arith.select %broadcast_in_dim3A_58, %broadcast_in_dim3A_60, %broadcast_in_dim3A_44 : vector<7x512xi1>, vector<7x512xi32>
    %slice3A_61 = vector.extract_strided_slice %add3A_43 {offsets = [1, 0], sizes = [1, 512], strides = [1, 1]} : vector<7x512xf32> to vector<1x512xf32>
    %lt3A_62 = vector.broadcast %slice3A_61 : vector<1x512xf32> to vector<7x512xf32>
    %lt3A_63 = arith.cmpf olt, %add3A_43, %lt3A_62 : vector<7x512xf32>
    %eq3A_64 = vector.broadcast %slice3A_61 : vector<1x512xf32> to vector<7x512xf32>
    %eq3A_65 = arith.cmpf oeq, %add3A_43, %eq3A_64 : vector<7x512xf32>
    %lt3A_66 = arith.constant 1 : i32
    %lt3A_67 = vector.broadcast %lt3A_66 : i32 to vector<7x1xi32>
    %lt3A_68 = arith.cmpi slt, %iota3A, %lt3A_67 : vector<7x1xi32>
    %and3A_69 = vector.broadcast %lt3A_68 : vector<7x1xi1> to vector<7x512xi1>
    %and3A_70 = arith.andi %eq3A_65, %and3A_69 : vector<7x512xi1>
    %or3A_71 = arith.ori %lt3A_63, %and3A_70 : vector<7x512xi1>
    %convert_element_type3A_72 = arith.extui %or3A_71 : vector<7x512xi1> to vector<7x512xi32>
    %reduce_sum3A_73 = arith.constant dense<0> : vector<512xi32>
    %reduce_sum3A_74 = vector.multi_reduction <add>, %convert_element_type3A_72, %reduce_sum3A_73 [0] : vector<7x512xi32> to vector<512xi32>
    %broadcast_in_dim3A_75 = vector.shape_cast %reduce_sum3A_74 : vector<512xi32> to vector<1x512xi32>
    %eq3A_76 = arith.constant 1 : i32
    %eq3A_77 = vector.broadcast %eq3A_76 : i32 to vector<7x1xi32>
    %eq3A_78 = arith.cmpi eq, %iota3A, %eq3A_77 : vector<7x1xi32>
    %broadcast_in_dim3A_79 = vector.shape_cast %eq3A_78 : vector<7x1xi1> to vector<7x1xi1>
    %broadcast_in_dim3A_80 = vector.broadcast %broadcast_in_dim3A_79 : vector<7x1xi1> to vector<7x512xi1>
    %broadcast_in_dim3A_81 = vector.shape_cast %broadcast_in_dim3A_75 : vector<1x512xi32> to vector<1x512xi32>
    %broadcast_in_dim3A_82 = vector.broadcast %broadcast_in_dim3A_81 : vector<1x512xi32> to vector<7x512xi32>
    %select_n3A_83 = arith.select %broadcast_in_dim3A_80, %broadcast_in_dim3A_82, %select_n3A : vector<7x512xi1>, vector<7x512xi32>
    %slice3A_84 = vector.extract_strided_slice %add3A_43 {offsets = [2, 0], sizes = [1, 512], strides = [1, 1]} : vector<7x512xf32> to vector<1x512xf32>
    %lt3A_85 = vector.broadcast %slice3A_84 : vector<1x512xf32> to vector<7x512xf32>
    %lt3A_86 = arith.cmpf olt, %add3A_43, %lt3A_85 : vector<7x512xf32>
    %eq3A_87 = vector.broadcast %slice3A_84 : vector<1x512xf32> to vector<7x512xf32>
    %eq3A_88 = arith.cmpf oeq, %add3A_43, %eq3A_87 : vector<7x512xf32>
    %lt3A_89 = arith.constant 2 : i32
    %lt3A_90 = vector.broadcast %lt3A_89 : i32 to vector<7x1xi32>
    %lt3A_91 = arith.cmpi slt, %iota3A, %lt3A_90 : vector<7x1xi32>
    %and3A_92 = vector.broadcast %lt3A_91 : vector<7x1xi1> to vector<7x512xi1>
    %and3A_93 = arith.andi %eq3A_88, %and3A_92 : vector<7x512xi1>
    %or3A_94 = arith.ori %lt3A_86, %and3A_93 : vector<7x512xi1>
    %convert_element_type3A_95 = arith.extui %or3A_94 : vector<7x512xi1> to vector<7x512xi32>
    %reduce_sum3A_96 = arith.constant dense<0> : vector<512xi32>
    %reduce_sum3A_97 = vector.multi_reduction <add>, %convert_element_type3A_95, %reduce_sum3A_96 [0] : vector<7x512xi32> to vector<512xi32>
    %broadcast_in_dim3A_98 = vector.shape_cast %reduce_sum3A_97 : vector<512xi32> to vector<1x512xi32>
    %eq3A_99 = arith.constant 2 : i32
    %eq3A_100 = vector.broadcast %eq3A_99 : i32 to vector<7x1xi32>
    %eq3A_101 = arith.cmpi eq, %iota3A, %eq3A_100 : vector<7x1xi32>
    %broadcast_in_dim3A_102 = vector.shape_cast %eq3A_101 : vector<7x1xi1> to vector<7x1xi1>
    %broadcast_in_dim3A_103 = vector.broadcast %broadcast_in_dim3A_102 : vector<7x1xi1> to vector<7x512xi1>
    %broadcast_in_dim3A_104 = vector.shape_cast %broadcast_in_dim3A_98 : vector<1x512xi32> to vector<1x512xi32>
    %broadcast_in_dim3A_105 = vector.broadcast %broadcast_in_dim3A_104 : vector<1x512xi32> to vector<7x512xi32>
    %select_n3A_106 = arith.select %broadcast_in_dim3A_103, %broadcast_in_dim3A_105, %select_n3A_83 : vector<7x512xi1>, vector<7x512xi32>
    %slice3A_107 = vector.extract_strided_slice %add3A_43 {offsets = [3, 0], sizes = [1, 512], strides = [1, 1]} : vector<7x512xf32> to vector<1x512xf32>
    %lt3A_108 = vector.broadcast %slice3A_107 : vector<1x512xf32> to vector<7x512xf32>
    %lt3A_109 = arith.cmpf olt, %add3A_43, %lt3A_108 : vector<7x512xf32>
    %eq3A_110 = vector.broadcast %slice3A_107 : vector<1x512xf32> to vector<7x512xf32>
    %eq3A_111 = arith.cmpf oeq, %add3A_43, %eq3A_110 : vector<7x512xf32>
    %lt3A_112 = arith.constant 3 : i32
    %lt3A_113 = vector.broadcast %lt3A_112 : i32 to vector<7x1xi32>
    %lt3A_114 = arith.cmpi slt, %iota3A, %lt3A_113 : vector<7x1xi32>
    %and3A_115 = vector.broadcast %lt3A_114 : vector<7x1xi1> to vector<7x512xi1>
    %and3A_116 = arith.andi %eq3A_111, %and3A_115 : vector<7x512xi1>
    %or3A_117 = arith.ori %lt3A_109, %and3A_116 : vector<7x512xi1>
    %convert_element_type3A_118 = arith.extui %or3A_117 : vector<7x512xi1> to vector<7x512xi32>
    %reduce_sum3A_119 = arith.constant dense<0> : vector<512xi32>
    %reduce_sum3A_120 = vector.multi_reduction <add>, %convert_element_type3A_118, %reduce_sum3A_119 [0] : vector<7x512xi32> to vector<512xi32>
    %broadcast_in_dim3A_121 = vector.shape_cast %reduce_sum3A_120 : vector<512xi32> to vector<1x512xi32>
    %eq3A_122 = arith.constant 3 : i32
    %eq3A_123 = vector.broadcast %eq3A_122 : i32 to vector<7x1xi32>
    %eq3A_124 = arith.cmpi eq, %iota3A, %eq3A_123 : vector<7x1xi32>
    %broadcast_in_dim3A_125 = vector.shape_cast %eq3A_124 : vector<7x1xi1> to vector<7x1xi1>
    %broadcast_in_dim3A_126 = vector.broadcast %broadcast_in_dim3A_125 : vector<7x1xi1> to vector<7x512xi1>
    %broadcast_in_dim3A_127 = vector.shape_cast %broadcast_in_dim3A_121 : vector<1x512xi32> to vector<1x512xi32>
    %broadcast_in_dim3A_128 = vector.broadcast %broadcast_in_dim3A_127 : vector<1x512xi32> to vector<7x512xi32>
    %select_n3A_129 = arith.select %broadcast_in_dim3A_126, %broadcast_in_dim3A_128, %select_n3A_106 : vector<7x512xi1>, vector<7x512xi32>
    %slice3A_130 = vector.extract_strided_slice %add3A_43 {offsets = [4, 0], sizes = [1, 512], strides = [1, 1]} : vector<7x512xf32> to vector<1x512xf32>
    %lt3A_131 = vector.broadcast %slice3A_130 : vector<1x512xf32> to vector<7x512xf32>
    %lt3A_132 = arith.cmpf olt, %add3A_43, %lt3A_131 : vector<7x512xf32>
    %eq3A_133 = vector.broadcast %slice3A_130 : vector<1x512xf32> to vector<7x512xf32>
    %eq3A_134 = arith.cmpf oeq, %add3A_43, %eq3A_133 : vector<7x512xf32>
    %lt3A_135 = arith.constant 4 : i32
    %lt3A_136 = vector.broadcast %lt3A_135 : i32 to vector<7x1xi32>
    %lt3A_137 = arith.cmpi slt, %iota3A, %lt3A_136 : vector<7x1xi32>
    %and3A_138 = vector.broadcast %lt3A_137 : vector<7x1xi1> to vector<7x512xi1>
    %and3A_139 = arith.andi %eq3A_134, %and3A_138 : vector<7x512xi1>
    %or3A_140 = arith.ori %lt3A_132, %and3A_139 : vector<7x512xi1>
    %convert_element_type3A_141 = arith.extui %or3A_140 : vector<7x512xi1> to vector<7x512xi32>
    %reduce_sum3A_142 = arith.constant dense<0> : vector<512xi32>
    %reduce_sum3A_143 = vector.multi_reduction <add>, %convert_element_type3A_141, %reduce_sum3A_142 [0] : vector<7x512xi32> to vector<512xi32>
    %broadcast_in_dim3A_144 = vector.shape_cast %reduce_sum3A_143 : vector<512xi32> to vector<1x512xi32>
    %eq3A_145 = arith.constant 4 : i32
    %eq3A_146 = vector.broadcast %eq3A_145 : i32 to vector<7x1xi32>
    %eq3A_147 = arith.cmpi eq, %iota3A, %eq3A_146 : vector<7x1xi32>
    %broadcast_in_dim3A_148 = vector.shape_cast %eq3A_147 : vector<7x1xi1> to vector<7x1xi1>
    %broadcast_in_dim3A_149 = vector.broadcast %broadcast_in_dim3A_148 : vector<7x1xi1> to vector<7x512xi1>
    %broadcast_in_dim3A_150 = vector.shape_cast %broadcast_in_dim3A_144 : vector<1x512xi32> to vector<1x512xi32>
    %broadcast_in_dim3A_151 = vector.broadcast %broadcast_in_dim3A_150 : vector<1x512xi32> to vector<7x512xi32>
    %select_n3A_152 = arith.select %broadcast_in_dim3A_149, %broadcast_in_dim3A_151, %select_n3A_129 : vector<7x512xi1>, vector<7x512xi32>
    %slice3A_153 = vector.extract_strided_slice %add3A_43 {offsets = [5, 0], sizes = [1, 512], strides = [1, 1]} : vector<7x512xf32> to vector<1x512xf32>
    %lt3A_154 = vector.broadcast %slice3A_153 : vector<1x512xf32> to vector<7x512xf32>
    %lt3A_155 = arith.cmpf olt, %add3A_43, %lt3A_154 : vector<7x512xf32>
    %eq3A_156 = vector.broadcast %slice3A_153 : vector<1x512xf32> to vector<7x512xf32>
    %eq3A_157 = arith.cmpf oeq, %add3A_43, %eq3A_156 : vector<7x512xf32>
    %lt3A_158 = arith.constant 5 : i32
    %lt3A_159 = vector.broadcast %lt3A_158 : i32 to vector<7x1xi32>
    %lt3A_160 = arith.cmpi slt, %iota3A, %lt3A_159 : vector<7x1xi32>
    %and3A_161 = vector.broadcast %lt3A_160 : vector<7x1xi1> to vector<7x512xi1>
    %and3A_162 = arith.andi %eq3A_157, %and3A_161 : vector<7x512xi1>
    %or3A_163 = arith.ori %lt3A_155, %and3A_162 : vector<7x512xi1>
    %convert_element_type3A_164 = arith.extui %or3A_163 : vector<7x512xi1> to vector<7x512xi32>
    %reduce_sum3A_165 = arith.constant dense<0> : vector<512xi32>
    %reduce_sum3A_166 = vector.multi_reduction <add>, %convert_element_type3A_164, %reduce_sum3A_165 [0] : vector<7x512xi32> to vector<512xi32>
    %broadcast_in_dim3A_167 = vector.shape_cast %reduce_sum3A_166 : vector<512xi32> to vector<1x512xi32>
    %eq3A_168 = arith.constant 5 : i32
    %eq3A_169 = vector.broadcast %eq3A_168 : i32 to vector<7x1xi32>
    %eq3A_170 = arith.cmpi eq, %iota3A, %eq3A_169 : vector<7x1xi32>
    %broadcast_in_dim3A_171 = vector.shape_cast %eq3A_170 : vector<7x1xi1> to vector<7x1xi1>
    %broadcast_in_dim3A_172 = vector.broadcast %broadcast_in_dim3A_171 : vector<7x1xi1> to vector<7x512xi1>
    %broadcast_in_dim3A_173 = vector.shape_cast %broadcast_in_dim3A_167 : vector<1x512xi32> to vector<1x512xi32>
    %broadcast_in_dim3A_174 = vector.broadcast %broadcast_in_dim3A_173 : vector<1x512xi32> to vector<7x512xi32>
    %select_n3A_175 = arith.select %broadcast_in_dim3A_172, %broadcast_in_dim3A_174, %select_n3A_152 : vector<7x512xi1>, vector<7x512xi32>
    %slice3A_176 = vector.extract_strided_slice %add3A_43 {offsets = [6, 0], sizes = [1, 512], strides = [1, 1]} : vector<7x512xf32> to vector<1x512xf32>
    %lt3A_177 = vector.broadcast %slice3A_176 : vector<1x512xf32> to vector<7x512xf32>
    %lt3A_178 = arith.cmpf olt, %add3A_43, %lt3A_177 : vector<7x512xf32>
    %eq3A_179 = vector.broadcast %slice3A_176 : vector<1x512xf32> to vector<7x512xf32>
    %eq3A_180 = arith.cmpf oeq, %add3A_43, %eq3A_179 : vector<7x512xf32>
    %lt3A_181 = arith.constant 6 : i32
    %lt3A_182 = vector.broadcast %lt3A_181 : i32 to vector<7x1xi32>
    %lt3A_183 = arith.cmpi slt, %iota3A, %lt3A_182 : vector<7x1xi32>
    %and3A_184 = vector.broadcast %lt3A_183 : vector<7x1xi1> to vector<7x512xi1>
    %and3A_185 = arith.andi %eq3A_180, %and3A_184 : vector<7x512xi1>
    %or3A_186 = arith.ori %lt3A_178, %and3A_185 : vector<7x512xi1>
    %convert_element_type3A_187 = arith.extui %or3A_186 : vector<7x512xi1> to vector<7x512xi32>
    %reduce_sum3A_188 = arith.constant dense<0> : vector<512xi32>
    %reduce_sum3A_189 = vector.multi_reduction <add>, %convert_element_type3A_187, %reduce_sum3A_188 [0] : vector<7x512xi32> to vector<512xi32>
    %broadcast_in_dim3A_190 = vector.shape_cast %reduce_sum3A_189 : vector<512xi32> to vector<1x512xi32>
    %eq3A_191 = arith.constant 6 : i32
    %eq3A_192 = vector.broadcast %eq3A_191 : i32 to vector<7x1xi32>
    %eq3A_193 = arith.cmpi eq, %iota3A, %eq3A_192 : vector<7x1xi32>
    %broadcast_in_dim3A_194 = vector.shape_cast %eq3A_193 : vector<7x1xi1> to vector<7x1xi1>
    %broadcast_in_dim3A_195 = vector.broadcast %broadcast_in_dim3A_194 : vector<7x1xi1> to vector<7x512xi1>
    %broadcast_in_dim3A_196 = vector.shape_cast %broadcast_in_dim3A_190 : vector<1x512xi32> to vector<1x512xi32>
    %broadcast_in_dim3A_197 = vector.broadcast %broadcast_in_dim3A_196 : vector<1x512xi32> to vector<7x512xi32>
    %select_n3A_198 = arith.select %broadcast_in_dim3A_195, %broadcast_in_dim3A_197, %select_n3A_175 : vector<7x512xi1>, vector<7x512xi32>
    %slice3A_199 = vector.extract_strided_slice %select_n3A_198 {offsets = [0, 0], sizes = [1, 512], strides = [1, 1]} : vector<7x512xi32> to vector<1x512xi32>
    %eq3A_200 = vector.broadcast %slice3A_199 : vector<1x512xi32> to vector<7x512xi32>
    %eq3A_201 = vector.broadcast %iota3A : vector<7x1xi32> to vector<7x512xi32>
    %eq3A_202 = arith.cmpi eq, %eq3A_200, %eq3A_201 : vector<7x512xi32>
    %slice3A_203 = vector.extract_strided_slice %select_n3A_198 {offsets = [1, 0], sizes = [1, 512], strides = [1, 1]} : vector<7x512xi32> to vector<1x512xi32>
    %eq3A_204 = vector.broadcast %slice3A_203 : vector<1x512xi32> to vector<7x512xi32>
    %eq3A_205 = vector.broadcast %iota3A : vector<7x1xi32> to vector<7x512xi32>
    %eq3A_206 = arith.cmpi eq, %eq3A_204, %eq3A_205 : vector<7x512xi32>
    %slice3A_207 = vector.extract_strided_slice %select_n3A_198 {offsets = [2, 0], sizes = [1, 512], strides = [1, 1]} : vector<7x512xi32> to vector<1x512xi32>
    %eq3A_208 = vector.broadcast %slice3A_207 : vector<1x512xi32> to vector<7x512xi32>
    %eq3A_209 = vector.broadcast %iota3A : vector<7x1xi32> to vector<7x512xi32>
    %eq3A_210 = arith.cmpi eq, %eq3A_208, %eq3A_209 : vector<7x512xi32>
    %slice3A_211 = vector.extract_strided_slice %select_n3A_198 {offsets = [3, 0], sizes = [1, 512], strides = [1, 1]} : vector<7x512xi32> to vector<1x512xi32>
    %eq3A_212 = vector.broadcast %slice3A_211 : vector<1x512xi32> to vector<7x512xi32>
    %eq3A_213 = vector.broadcast %iota3A : vector<7x1xi32> to vector<7x512xi32>
    %eq3A_214 = arith.cmpi eq, %eq3A_212, %eq3A_213 : vector<7x512xi32>
    %slice3A_215 = vector.extract_strided_slice %select_n3A_198 {offsets = [4, 0], sizes = [1, 512], strides = [1, 1]} : vector<7x512xi32> to vector<1x512xi32>
    %eq3A_216 = vector.broadcast %slice3A_215 : vector<1x512xi32> to vector<7x512xi32>
    %eq3A_217 = vector.broadcast %iota3A : vector<7x1xi32> to vector<7x512xi32>
    %eq3A_218 = arith.cmpi eq, %eq3A_216, %eq3A_217 : vector<7x512xi32>
    %slice3A_219 = vector.extract_strided_slice %select_n3A_198 {offsets = [5, 0], sizes = [1, 512], strides = [1, 1]} : vector<7x512xi32> to vector<1x512xi32>
    %eq3A_220 = vector.broadcast %slice3A_219 : vector<1x512xi32> to vector<7x512xi32>
    %eq3A_221 = vector.broadcast %iota3A : vector<7x1xi32> to vector<7x512xi32>
    %eq3A_222 = arith.cmpi eq, %eq3A_220, %eq3A_221 : vector<7x512xi32>
    %slice3A_223 = vector.extract_strided_slice %select_n3A_198 {offsets = [6, 0], sizes = [1, 512], strides = [1, 1]} : vector<7x512xi32> to vector<1x512xi32>
    %eq3A_224 = vector.broadcast %slice3A_223 : vector<1x512xi32> to vector<7x512xi32>
    %eq3A_225 = vector.broadcast %iota3A : vector<7x1xi32> to vector<7x512xi32>
    %eq3A_226 = arith.cmpi eq, %eq3A_224, %eq3A_225 : vector<7x512xi32>
    %jit3A = arith.constant 0 : i32
    %jit3A_227 = arith.constant 0 : i32
    %broadcast_in_dim3A_228 = vector.broadcast %jit3A : i32 to vector<7x512xi32>
    %broadcast_in_dim3A_229 = vector.broadcast %jit3A_227 : i32 to vector<7x512xi32>
    %select_n3A_230 = arith.select %eq3A_202, %broadcast_in_dim3A_228, %broadcast_in_dim3A_229 : vector<7x512xi1>, vector<7x512xi32>
    %jit3A_231 = arith.constant 1 : i32
    %jit3A_232 = arith.constant 0 : i32
    %broadcast_in_dim3A_233 = vector.broadcast %jit3A_231 : i32 to vector<7x512xi32>
    %broadcast_in_dim3A_234 = vector.broadcast %jit3A_232 : i32 to vector<7x512xi32>
    %select_n3A_235 = arith.select %eq3A_206, %broadcast_in_dim3A_233, %broadcast_in_dim3A_234 : vector<7x512xi1>, vector<7x512xi32>
    %add3A_236 = arith.addi %select_n3A_230, %select_n3A_235 : vector<7x512xi32>
    %jit3A_237 = arith.constant 2 : i32
    %jit3A_238 = arith.constant 0 : i32
    %broadcast_in_dim3A_239 = vector.broadcast %jit3A_237 : i32 to vector<7x512xi32>
    %broadcast_in_dim3A_240 = vector.broadcast %jit3A_238 : i32 to vector<7x512xi32>
    %select_n3A_241 = arith.select %eq3A_210, %broadcast_in_dim3A_239, %broadcast_in_dim3A_240 : vector<7x512xi1>, vector<7x512xi32>
    %add3A_242 = arith.addi %add3A_236, %select_n3A_241 : vector<7x512xi32>
    %jit3A_243 = arith.constant 3 : i32
    %jit3A_244 = arith.constant 0 : i32
    %broadcast_in_dim3A_245 = vector.broadcast %jit3A_243 : i32 to vector<7x512xi32>
    %broadcast_in_dim3A_246 = vector.broadcast %jit3A_244 : i32 to vector<7x512xi32>
    %select_n3A_247 = arith.select %eq3A_214, %broadcast_in_dim3A_245, %broadcast_in_dim3A_246 : vector<7x512xi1>, vector<7x512xi32>
    %add3A_248 = arith.addi %add3A_242, %select_n3A_247 : vector<7x512xi32>
    %jit3A_249 = arith.constant 4 : i32
    %jit3A_250 = arith.constant 0 : i32
    %broadcast_in_dim3A_251 = vector.broadcast %jit3A_249 : i32 to vector<7x512xi32>
    %broadcast_in_dim3A_252 = vector.broadcast %jit3A_250 : i32 to vector<7x512xi32>
    %select_n3A_253 = arith.select %eq3A_218, %broadcast_in_dim3A_251, %broadcast_in_dim3A_252 : vector<7x512xi1>, vector<7x512xi32>
    %add3A_254 = arith.addi %add3A_248, %select_n3A_253 : vector<7x512xi32>
    %jit3A_255 = arith.constant 5 : i32
    %jit3A_256 = arith.constant 0 : i32
    %broadcast_in_dim3A_257 = vector.broadcast %jit3A_255 : i32 to vector<7x512xi32>
    %broadcast_in_dim3A_258 = vector.broadcast %jit3A_256 : i32 to vector<7x512xi32>
    %select_n3A_259 = arith.select %eq3A_222, %broadcast_in_dim3A_257, %broadcast_in_dim3A_258 : vector<7x512xi1>, vector<7x512xi32>
    %add3A_260 = arith.addi %add3A_254, %select_n3A_259 : vector<7x512xi32>
    %jit3A_261 = arith.constant 6 : i32
    %jit3A_262 = arith.constant 0 : i32
    %broadcast_in_dim3A_263 = vector.broadcast %jit3A_261 : i32 to vector<7x512xi32>
    %broadcast_in_dim3A_264 = vector.broadcast %jit3A_262 : i32 to vector<7x512xi32>
    %select_n3A_265 = arith.select %eq3A_226, %broadcast_in_dim3A_263, %broadcast_in_dim3A_264 : vector<7x512xi1>, vector<7x512xi32>
    %add3A_266 = arith.addi %add3A_260, %select_n3A_265 : vector<7x512xi32>
    %transpose3A_267 = tpu.transpose %add3A_266, [1, 0] : vector<7x512xi32> -> vector<512x7xi32>
    %swap3A = arith.constant 0 : index
    %swap3A_268 = arith.constant 0 : index
    %swap3A_269 = arith.constant 0 : index
    %swap3A_270 = vector.load %arg5[%swap3A, %swap3A_268, %swap3A_269] : memref<1x512x7xi32, #tpu.memory_space<vmem>>, vector<1x512x7xi32>
    %swap3A_271 = vector.shape_cast %swap3A_270 : vector<1x512x7xi32> to vector<512x7xi32>
    %swap3A_272 = vector.shape_cast %transpose3A_267 : vector<512x7xi32> to vector<1x512x7xi32>
    tpu.vector_store %arg5[%swap3A, %swap3A_268, %swap3A_269], %swap3A_272 {strides = array<i32>} : memref<1x512x7xi32, #tpu.memory_space<vmem>>, vector<1x512x7xi32>,
    %slice3A_273 = vector.extract_strided_slice %squeeze3A {offsets = [0, 0], sizes = [1, 512], strides = [1, 1]} : vector<7x512xf32> to vector<1x512xf32>
    %jit3A_274 = arith.constant 0.000000e+00 : f32
    %broadcast_in_dim3A_275 = vector.shape_cast %slice3A_273 : vector<1x512xf32> to vector<1x512xf32>
    %broadcast_in_dim3A_276 = vector.broadcast %broadcast_in_dim3A_275 : vector<1x512xf32> to vector<7x512xf32>
    %broadcast_in_dim3A_277 = vector.broadcast %jit3A_274 : f32 to vector<7x512xf32>
    %select_n3A_278 = arith.select %eq3A_202, %broadcast_in_dim3A_276, %broadcast_in_dim3A_277 : vector<7x512xi1>, vector<7x512xf32>
    %slice3A_279 = vector.extract_strided_slice %squeeze3A {offsets = [1, 0], sizes = [1, 512], strides = [1, 1]} : vector<7x512xf32> to vector<1x512xf32>
    %jit3A_280 = arith.constant 0.000000e+00 : f32
    %broadcast_in_dim3A_281 = vector.shape_cast %slice3A_279 : vector<1x512xf32> to vector<1x512xf32>
    %broadcast_in_dim3A_282 = vector.broadcast %broadcast_in_dim3A_281 : vector<1x512xf32> to vector<7x512xf32>
    %broadcast_in_dim3A_283 = vector.broadcast %jit3A_280 : f32 to vector<7x512xf32>
    %select_n3A_284 = arith.select %eq3A_206, %broadcast_in_dim3A_282, %broadcast_in_dim3A_283 : vector<7x512xi1>, vector<7x512xf32>
    %add3A_285 = arith.addf %select_n3A_278, %select_n3A_284 : vector<7x512xf32>
    %slice3A_286 = vector.extract_strided_slice %squeeze3A {offsets = [2, 0], sizes = [1, 512], strides = [1, 1]} : vector<7x512xf32> to vector<1x512xf32>
    %jit3A_287 = arith.constant 0.000000e+00 : f32
    %broadcast_in_dim3A_288 = vector.shape_cast %slice3A_286 : vector<1x512xf32> to vector<1x512xf32>
    %broadcast_in_dim3A_289 = vector.broadcast %broadcast_in_dim3A_288 : vector<1x512xf32> to vector<7x512xf32>
    %broadcast_in_dim3A_290 = vector.broadcast %jit3A_287 : f32 to vector<7x512xf32>
    %select_n3A_291 = arith.select %eq3A_210, %broadcast_in_dim3A_289, %broadcast_in_dim3A_290 : vector<7x512xi1>, vector<7x512xf32>
    %add3A_292 = arith.addf %add3A_285, %select_n3A_291 : vector<7x512xf32>
    %slice3A_293 = vector.extract_strided_slice %squeeze3A {offsets = [3, 0], sizes = [1, 512], strides = [1, 1]} : vector<7x512xf32> to vector<1x512xf32>
    %jit3A_294 = arith.constant 0.000000e+00 : f32
    %broadcast_in_dim3A_295 = vector.shape_cast %slice3A_293 : vector<1x512xf32> to vector<1x512xf32>
    %broadcast_in_dim3A_296 = vector.broadcast %broadcast_in_dim3A_295 : vector<1x512xf32> to vector<7x512xf32>
    %broadcast_in_dim3A_297 = vector.broadcast %jit3A_294 : f32 to vector<7x512xf32>
    %select_n3A_298 = arith.select %eq3A_214, %broadcast_in_dim3A_296, %broadcast_in_dim3A_297 : vector<7x512xi1>, vector<7x512xf32>
    %add3A_299 = arith.addf %add3A_292, %select_n3A_298 : vector<7x512xf32>
    %slice3A_300 = vector.extract_strided_slice %squeeze3A {offsets = [4, 0], sizes = [1, 512], strides = [1, 1]} : vector<7x512xf32> to vector<1x512xf32>
    %jit3A_301 = arith.constant 0.000000e+00 : f32
    %broadcast_in_dim3A_302 = vector.shape_cast %slice3A_300 : vector<1x512xf32> to vector<1x512xf32>
    %broadcast_in_dim3A_303 = vector.broadcast %broadcast_in_dim3A_302 : vector<1x512xf32> to vector<7x512xf32>
    %broadcast_in_dim3A_304 = vector.broadcast %jit3A_301 : f32 to vector<7x512xf32>
    %select_n3A_305 = arith.select %eq3A_218, %broadcast_in_dim3A_303, %broadcast_in_dim3A_304 : vector<7x512xi1>, vector<7x512xf32>
    %add3A_306 = arith.addf %add3A_299, %select_n3A_305 : vector<7x512xf32>
    %slice3A_307 = vector.extract_strided_slice %squeeze3A {offsets = [5, 0], sizes = [1, 512], strides = [1, 1]} : vector<7x512xf32> to vector<1x512xf32>
    %jit3A_308 = arith.constant 0.000000e+00 : f32
    %broadcast_in_dim3A_309 = vector.shape_cast %slice3A_307 : vector<1x512xf32> to vector<1x512xf32>
    %broadcast_in_dim3A_310 = vector.broadcast %broadcast_in_dim3A_309 : vector<1x512xf32> to vector<7x512xf32>
    %broadcast_in_dim3A_311 = vector.broadcast %jit3A_308 : f32 to vector<7x512xf32>
    %select_n3A_312 = arith.select %eq3A_222, %broadcast_in_dim3A_310, %broadcast_in_dim3A_311 : vector<7x512xi1>, vector<7x512xf32>
    %add3A_313 = arith.addf %add3A_306, %select_n3A_312 : vector<7x512xf32>
    %slice3A_314 = vector.extract_strided_slice %squeeze3A {offsets = [6, 0], sizes = [1, 512], strides = [1, 1]} : vector<7x512xf32> to vector<1x512xf32>
    %jit3A_315 = arith.constant 0.000000e+00 : f32
    %broadcast_in_dim3A_316 = vector.shape_cast %slice3A_314 : vector<1x512xf32> to vector<1x512xf32>
    %broadcast_in_dim3A_317 = vector.broadcast %broadcast_in_dim3A_316 : vector<1x512xf32> to vector<7x512xf32>
    %broadcast_in_dim3A_318 = vector.broadcast %jit3A_315 : f32 to vector<7x512xf32>
    %select_n3A_319 = arith.select %eq3A_226, %broadcast_in_dim3A_317, %broadcast_in_dim3A_318 : vector<7x512xi1>, vector<7x512xf32>
    %add3A_320 = arith.addf %add3A_313, %select_n3A_319 : vector<7x512xf32>
    %slice3A_321 = vector.extract_strided_slice %squeeze3A_5 {offsets = [0, 0], sizes = [1, 512], strides = [1, 1]} : vector<7x512xf32> to vector<1x512xf32>
    %jit3A_322 = arith.constant 0.000000e+00 : f32
    %broadcast_in_dim3A_323 = vector.shape_cast %slice3A_321 : vector<1x512xf32> to vector<1x512xf32>
    %broadcast_in_dim3A_324 = vector.broadcast %broadcast_in_dim3A_323 : vector<1x512xf32> to vector<7x512xf32>
    %broadcast_in_dim3A_325 = vector.broadcast %jit3A_322 : f32 to vector<7x512xf32>
    %select_n3A_326 = arith.select %eq3A_202, %broadcast_in_dim3A_324, %broadcast_in_dim3A_325 : vector<7x512xi1>, vector<7x512xf32>
    %slice3A_327 = vector.extract_strided_slice %squeeze3A_5 {offsets = [1, 0], sizes = [1, 512], strides = [1, 1]} : vector<7x512xf32> to vector<1x512xf32>
    %jit3A_328 = arith.constant 0.000000e+00 : f32
    %broadcast_in_dim3A_329 = vector.shape_cast %slice3A_327 : vector<1x512xf32> to vector<1x512xf32>
    %broadcast_in_dim3A_330 = vector.broadcast %broadcast_in_dim3A_329 : vector<1x512xf32> to vector<7x512xf32>
    %broadcast_in_dim3A_331 = vector.broadcast %jit3A_328 : f32 to vector<7x512xf32>
    %select_n3A_332 = arith.select %eq3A_206, %broadcast_in_dim3A_330, %broadcast_in_dim3A_331 : vector<7x512xi1>, vector<7x512xf32>
    %add3A_333 = arith.addf %select_n3A_326, %select_n3A_332 : vector<7x512xf32>
    %slice3A_334 = vector.extract_strided_slice %squeeze3A_5 {offsets = [2, 0], sizes = [1, 512], strides = [1, 1]} : vector<7x512xf32> to vector<1x512xf32>
    %jit3A_335 = arith.constant 0.000000e+00 : f32
    %broadcast_in_dim3A_336 = vector.shape_cast %slice3A_334 : vector<1x512xf32> to vector<1x512xf32>
    %broadcast_in_dim3A_337 = vector.broadcast %broadcast_in_dim3A_336 : vector<1x512xf32> to vector<7x512xf32>
    %broadcast_in_dim3A_338 = vector.broadcast %jit3A_335 : f32 to vector<7x512xf32>
    %select_n3A_339 = arith.select %eq3A_210, %broadcast_in_dim3A_337, %broadcast_in_dim3A_338 : vector<7x512xi1>, vector<7x512xf32>
    %add3A_340 = arith.addf %add3A_333, %select_n3A_339 : vector<7x512xf32>
    %slice3A_341 = vector.extract_strided_slice %squeeze3A_5 {offsets = [3, 0], sizes = [1, 512], strides = [1, 1]} : vector<7x512xf32> to vector<1x512xf32>
    %jit3A_342 = arith.constant 0.000000e+00 : f32
    %broadcast_in_dim3A_343 = vector.shape_cast %slice3A_341 : vector<1x512xf32> to vector<1x512xf32>
    %broadcast_in_dim3A_344 = vector.broadcast %broadcast_in_dim3A_343 : vector<1x512xf32> to vector<7x512xf32>
    %broadcast_in_dim3A_345 = vector.broadcast %jit3A_342 : f32 to vector<7x512xf32>
    %select_n3A_346 = arith.select %eq3A_214, %broadcast_in_dim3A_344, %broadcast_in_dim3A_345 : vector<7x512xi1>, vector<7x512xf32>
    %add3A_347 = arith.addf %add3A_340, %select_n3A_346 : vector<7x512xf32>
    %slice3A_348 = vector.extract_strided_slice %squeeze3A_5 {offsets = [4, 0], sizes = [1, 512], strides = [1, 1]} : vector<7x512xf32> to vector<1x512xf32>
    %jit3A_349 = arith.constant 0.000000e+00 : f32
    %broadcast_in_dim3A_350 = vector.shape_cast %slice3A_348 : vector<1x512xf32> to vector<1x512xf32>
    %broadcast_in_dim3A_351 = vector.broadcast %broadcast_in_dim3A_350 : vector<1x512xf32> to vector<7x512xf32>
    %broadcast_in_dim3A_352 = vector.broadcast %jit3A_349 : f32 to vector<7x512xf32>
    %select_n3A_353 = arith.select %eq3A_218, %broadcast_in_dim3A_351, %broadcast_in_dim3A_352 : vector<7x512xi1>, vector<7x512xf32>
    %add3A_354 = arith.addf %add3A_347, %select_n3A_353 : vector<7x512xf32>
    %slice3A_355 = vector.extract_strided_slice %squeeze3A_5 {offsets = [5, 0], sizes = [1, 512], strides = [1, 1]} : vector<7x512xf32> to vector<1x512xf32>
    %jit3A_356 = arith.constant 0.000000e+00 : f32
    %broadcast_in_dim3A_357 = vector.shape_cast %slice3A_355 : vector<1x512xf32> to vector<1x512xf32>
    %broadcast_in_dim3A_358 = vector.broadcast %broadcast_in_dim3A_357 : vector<1x512xf32> to vector<7x512xf32>
    %broadcast_in_dim3A_359 = vector.broadcast %jit3A_356 : f32 to vector<7x512xf32>
    %select_n3A_360 = arith.select %eq3A_222, %broadcast_in_dim3A_358, %broadcast_in_dim3A_359 : vector<7x512xi1>, vector<7x512xf32>
    %add3A_361 = arith.addf %add3A_354, %select_n3A_360 : vector<7x512xf32>
    %slice3A_362 = vector.extract_strided_slice %squeeze3A_5 {offsets = [6, 0], sizes = [1, 512], strides = [1, 1]} : vector<7x512xf32> to vector<1x512xf32>
    %jit3A_363 = arith.constant 0.000000e+00 : f32
    %broadcast_in_dim3A_364 = vector.shape_cast %slice3A_362 : vector<1x512xf32> to vector<1x512xf32>
    %broadcast_in_dim3A_365 = vector.broadcast %broadcast_in_dim3A_364 : vector<1x512xf32> to vector<7x512xf32>
    %broadcast_in_dim3A_366 = vector.broadcast %jit3A_363 : f32 to vector<7x512xf32>
    %select_n3A_367 = arith.select %eq3A_226, %broadcast_in_dim3A_365, %broadcast_in_dim3A_366 : vector<7x512xi1>, vector<7x512xf32>
    %add3A_368 = arith.addf %add3A_361, %select_n3A_367 : vector<7x512xf32>
    %slice3A_369 = vector.extract_strided_slice %squeeze3A_7 {offsets = [0, 0], sizes = [1, 512], strides = [1, 1]} : vector<7x512xf32> to vector<1x512xf32>
    %jit3A_370 = arith.constant 0.000000e+00 : f32
    %broadcast_in_dim3A_371 = vector.shape_cast %slice3A_369 : vector<1x512xf32> to vector<1x512xf32>
    %broadcast_in_dim3A_372 = vector.broadcast %broadcast_in_dim3A_371 : vector<1x512xf32> to vector<7x512xf32>
    %broadcast_in_dim3A_373 = vector.broadcast %jit3A_370 : f32 to vector<7x512xf32>
    %select_n3A_374 = arith.select %eq3A_202, %broadcast_in_dim3A_372, %broadcast_in_dim3A_373 : vector<7x512xi1>, vector<7x512xf32>
    %slice3A_375 = vector.extract_strided_slice %squeeze3A_7 {offsets = [1, 0], sizes = [1, 512], strides = [1, 1]} : vector<7x512xf32> to vector<1x512xf32>
    %jit3A_376 = arith.constant 0.000000e+00 : f32
    %broadcast_in_dim3A_377 = vector.shape_cast %slice3A_375 : vector<1x512xf32> to vector<1x512xf32>
    %broadcast_in_dim3A_378 = vector.broadcast %broadcast_in_dim3A_377 : vector<1x512xf32> to vector<7x512xf32>
    %broadcast_in_dim3A_379 = vector.broadcast %jit3A_376 : f32 to vector<7x512xf32>
    %select_n3A_380 = arith.select %eq3A_206, %broadcast_in_dim3A_378, %broadcast_in_dim3A_379 : vector<7x512xi1>, vector<7x512xf32>
    %add3A_381 = arith.addf %select_n3A_374, %select_n3A_380 : vector<7x512xf32>
    %slice3A_382 = vector.extract_strided_slice %squeeze3A_7 {offsets = [2, 0], sizes = [1, 512], strides = [1, 1]} : vector<7x512xf32> to vector<1x512xf32>
    %jit3A_383 = arith.constant 0.000000e+00 : f32
    %broadcast_in_dim3A_384 = vector.shape_cast %slice3A_382 : vector<1x512xf32> to vector<1x512xf32>
    %broadcast_in_dim3A_385 = vector.broadcast %broadcast_in_dim3A_384 : vector<1x512xf32> to vector<7x512xf32>
    %broadcast_in_dim3A_386 = vector.broadcast %jit3A_383 : f32 to vector<7x512xf32>
    %select_n3A_387 = arith.select %eq3A_210, %broadcast_in_dim3A_385, %broadcast_in_dim3A_386 : vector<7x512xi1>, vector<7x512xf32>
    %add3A_388 = arith.addf %add3A_381, %select_n3A_387 : vector<7x512xf32>
    %slice3A_389 = vector.extract_strided_slice %squeeze3A_7 {offsets = [3, 0], sizes = [1, 512], strides = [1, 1]} : vector<7x512xf32> to vector<1x512xf32>
    %jit3A_390 = arith.constant 0.000000e+00 : f32
    %broadcast_in_dim3A_391 = vector.shape_cast %slice3A_389 : vector<1x512xf32> to vector<1x512xf32>
    %broadcast_in_dim3A_392 = vector.broadcast %broadcast_in_dim3A_391 : vector<1x512xf32> to vector<7x512xf32>
    %broadcast_in_dim3A_393 = vector.broadcast %jit3A_390 : f32 to vector<7x512xf32>
    %select_n3A_394 = arith.select %eq3A_214, %broadcast_in_dim3A_392, %broadcast_in_dim3A_393 : vector<7x512xi1>, vector<7x512xf32>
    %add3A_395 = arith.addf %add3A_388, %select_n3A_394 : vector<7x512xf32>
    %slice3A_396 = vector.extract_strided_slice %squeeze3A_7 {offsets = [4, 0], sizes = [1, 512], strides = [1, 1]} : vector<7x512xf32> to vector<1x512xf32>
    %jit3A_397 = arith.constant 0.000000e+00 : f32
    %broadcast_in_dim3A_398 = vector.shape_cast %slice3A_396 : vector<1x512xf32> to vector<1x512xf32>
    %broadcast_in_dim3A_399 = vector.broadcast %broadcast_in_dim3A_398 : vector<1x512xf32> to vector<7x512xf32>
    %broadcast_in_dim3A_400 = vector.broadcast %jit3A_397 : f32 to vector<7x512xf32>
    %select_n3A_401 = arith.select %eq3A_218, %broadcast_in_dim3A_399, %broadcast_in_dim3A_400 : vector<7x512xi1>, vector<7x512xf32>
    %add3A_402 = arith.addf %add3A_395, %select_n3A_401 : vector<7x512xf32>
    %slice3A_403 = vector.extract_strided_slice %squeeze3A_7 {offsets = [5, 0], sizes = [1, 512], strides = [1, 1]} : vector<7x512xf32> to vector<1x512xf32>
    %jit3A_404 = arith.constant 0.000000e+00 : f32
    %broadcast_in_dim3A_405 = vector.shape_cast %slice3A_403 : vector<1x512xf32> to vector<1x512xf32>
    %broadcast_in_dim3A_406 = vector.broadcast %broadcast_in_dim3A_405 : vector<1x512xf32> to vector<7x512xf32>
    %broadcast_in_dim3A_407 = vector.broadcast %jit3A_404 : f32 to vector<7x512xf32>
    %select_n3A_408 = arith.select %eq3A_222, %broadcast_in_dim3A_406, %broadcast_in_dim3A_407 : vector<7x512xi1>, vector<7x512xf32>
    %add3A_409 = arith.addf %add3A_402, %select_n3A_408 : vector<7x512xf32>
    %slice3A_410 = vector.extract_strided_slice %squeeze3A_7 {offsets = [6, 0], sizes = [1, 512], strides = [1, 1]} : vector<7x512xf32> to vector<1x512xf32>
    %jit3A_411 = arith.constant 0.000000e+00 : f32
    %broadcast_in_dim3A_412 = vector.shape_cast %slice3A_410 : vector<1x512xf32> to vector<1x512xf32>
    %broadcast_in_dim3A_413 = vector.broadcast %broadcast_in_dim3A_412 : vector<1x512xf32> to vector<7x512xf32>
    %broadcast_in_dim3A_414 = vector.broadcast %jit3A_411 : f32 to vector<7x512xf32>
    %select_n3A_415 = arith.select %eq3A_226, %broadcast_in_dim3A_413, %broadcast_in_dim3A_414 : vector<7x512xi1>, vector<7x512xf32>
    %add3A_416 = arith.addf %add3A_409, %select_n3A_415 : vector<7x512xf32>
    %slice3A_417 = vector.extract_strided_slice %squeeze3A_9 {offsets = [0, 0], sizes = [1, 512], strides = [1, 1]} : vector<7x512xf32> to vector<1x512xf32>
    %jit3A_418 = arith.constant 0.000000e+00 : f32
    %broadcast_in_dim3A_419 = vector.shape_cast %slice3A_417 : vector<1x512xf32> to vector<1x512xf32>
    %broadcast_in_dim3A_420 = vector.broadcast %broadcast_in_dim3A_419 : vector<1x512xf32> to vector<7x512xf32>
    %broadcast_in_dim3A_421 = vector.broadcast %jit3A_418 : f32 to vector<7x512xf32>
    %select_n3A_422 = arith.select %eq3A_202, %broadcast_in_dim3A_420, %broadcast_in_dim3A_421 : vector<7x512xi1>, vector<7x512xf32>
    %slice3A_423 = vector.extract_strided_slice %squeeze3A_9 {offsets = [1, 0], sizes = [1, 512], strides = [1, 1]} : vector<7x512xf32> to vector<1x512xf32>
    %jit3A_424 = arith.constant 0.000000e+00 : f32
    %broadcast_in_dim3A_425 = vector.shape_cast %slice3A_423 : vector<1x512xf32> to vector<1x512xf32>
    %broadcast_in_dim3A_426 = vector.broadcast %broadcast_in_dim3A_425 : vector<1x512xf32> to vector<7x512xf32>
    %broadcast_in_dim3A_427 = vector.broadcast %jit3A_424 : f32 to vector<7x512xf32>
    %select_n3A_428 = arith.select %eq3A_206, %broadcast_in_dim3A_426, %broadcast_in_dim3A_427 : vector<7x512xi1>, vector<7x512xf32>
    %add3A_429 = arith.addf %select_n3A_422, %select_n3A_428 : vector<7x512xf32>
    %slice3A_430 = vector.extract_strided_slice %squeeze3A_9 {offsets = [2, 0], sizes = [1, 512], strides = [1, 1]} : vector<7x512xf32> to vector<1x512xf32>
    %jit3A_431 = arith.constant 0.000000e+00 : f32
    %broadcast_in_dim3A_432 = vector.shape_cast %slice3A_430 : vector<1x512xf32> to vector<1x512xf32>
    %broadcast_in_dim3A_433 = vector.broadcast %broadcast_in_dim3A_432 : vector<1x512xf32> to vector<7x512xf32>
    %broadcast_in_dim3A_434 = vector.broadcast %jit3A_431 : f32 to vector<7x512xf32>
    %select_n3A_435 = arith.select %eq3A_210, %broadcast_in_dim3A_433, %broadcast_in_dim3A_434 : vector<7x512xi1>, vector<7x512xf32>
    %add3A_436 = arith.addf %add3A_429, %select_n3A_435 : vector<7x512xf32>
    %slice3A_437 = vector.extract_strided_slice %squeeze3A_9 {offsets = [3, 0], sizes = [1, 512], strides = [1, 1]} : vector<7x512xf32> to vector<1x512xf32>
    %jit3A_438 = arith.constant 0.000000e+00 : f32
    %broadcast_in_dim3A_439 = vector.shape_cast %slice3A_437 : vector<1x512xf32> to vector<1x512xf32>
    %broadcast_in_dim3A_440 = vector.broadcast %broadcast_in_dim3A_439 : vector<1x512xf32> to vector<7x512xf32>
    %broadcast_in_dim3A_441 = vector.broadcast %jit3A_438 : f32 to vector<7x512xf32>
    %select_n3A_442 = arith.select %eq3A_214, %broadcast_in_dim3A_440, %broadcast_in_dim3A_441 : vector<7x512xi1>, vector<7x512xf32>
    %add3A_443 = arith.addf %add3A_436, %select_n3A_442 : vector<7x512xf32>
    %slice3A_444 = vector.extract_strided_slice %squeeze3A_9 {offsets = [4, 0], sizes = [1, 512], strides = [1, 1]} : vector<7x512xf32> to vector<1x512xf32>
    %jit3A_445 = arith.constant 0.000000e+00 : f32
    %broadcast_in_dim3A_446 = vector.shape_cast %slice3A_444 : vector<1x512xf32> to vector<1x512xf32>
    %broadcast_in_dim3A_447 = vector.broadcast %broadcast_in_dim3A_446 : vector<1x512xf32> to vector<7x512xf32>
    %broadcast_in_dim3A_448 = vector.broadcast %jit3A_445 : f32 to vector<7x512xf32>
    %select_n3A_449 = arith.select %eq3A_218, %broadcast_in_dim3A_447, %broadcast_in_dim3A_448 : vector<7x512xi1>, vector<7x512xf32>
    %add3A_450 = arith.addf %add3A_443, %select_n3A_449 : vector<7x512xf32>
    %slice3A_451 = vector.extract_strided_slice %squeeze3A_9 {offsets = [5, 0], sizes = [1, 512], strides = [1, 1]} : vector<7x512xf32> to vector<1x512xf32>
    %jit3A_452 = arith.constant 0.000000e+00 : f32
    %broadcast_in_dim3A_453 = vector.shape_cast %slice3A_451 : vector<1x512xf32> to vector<1x512xf32>
    %broadcast_in_dim3A_454 = vector.broadcast %broadcast_in_dim3A_453 : vector<1x512xf32> to vector<7x512xf32>
    %broadcast_in_dim3A_455 = vector.broadcast %jit3A_452 : f32 to vector<7x512xf32>
    %select_n3A_456 = arith.select %eq3A_222, %broadcast_in_dim3A_454, %broadcast_in_dim3A_455 : vector<7x512xi1>, vector<7x512xf32>
    %add3A_457 = arith.addf %add3A_450, %select_n3A_456 : vector<7x512xf32>
    %slice3A_458 = vector.extract_strided_slice %squeeze3A_9 {offsets = [6, 0], sizes = [1, 512], strides = [1, 1]} : vector<7x512xf32> to vector<1x512xf32>
    %jit3A_459 = arith.constant 0.000000e+00 : f32
    %broadcast_in_dim3A_460 = vector.shape_cast %slice3A_458 : vector<1x512xf32> to vector<1x512xf32>
    %broadcast_in_dim3A_461 = vector.broadcast %broadcast_in_dim3A_460 : vector<1x512xf32> to vector<7x512xf32>
    %broadcast_in_dim3A_462 = vector.broadcast %jit3A_459 : f32 to vector<7x512xf32>
    %select_n3A_463 = arith.select %eq3A_226, %broadcast_in_dim3A_461, %broadcast_in_dim3A_462 : vector<7x512xi1>, vector<7x512xf32>
    %add3A_464 = arith.addf %add3A_457, %select_n3A_463 : vector<7x512xf32>
    %slice3A_465 = vector.extract_strided_slice %squeeze3A_11 {offsets = [0, 0], sizes = [1, 512], strides = [1, 1]} : vector<7x512xf32> to vector<1x512xf32>
    %jit3A_466 = arith.constant 0.000000e+00 : f32
    %broadcast_in_dim3A_467 = vector.shape_cast %slice3A_465 : vector<1x512xf32> to vector<1x512xf32>
    %broadcast_in_dim3A_468 = vector.broadcast %broadcast_in_dim3A_467 : vector<1x512xf32> to vector<7x512xf32>
    %broadcast_in_dim3A_469 = vector.broadcast %jit3A_466 : f32 to vector<7x512xf32>
    %select_n3A_470 = arith.select %eq3A_202, %broadcast_in_dim3A_468, %broadcast_in_dim3A_469 : vector<7x512xi1>, vector<7x512xf32>
    %slice3A_471 = vector.extract_strided_slice %squeeze3A_11 {offsets = [1, 0], sizes = [1, 512], strides = [1, 1]} : vector<7x512xf32> to vector<1x512xf32>
    %jit3A_472 = arith.constant 0.000000e+00 : f32
    %broadcast_in_dim3A_473 = vector.shape_cast %slice3A_471 : vector<1x512xf32> to vector<1x512xf32>
    %broadcast_in_dim3A_474 = vector.broadcast %broadcast_in_dim3A_473 : vector<1x512xf32> to vector<7x512xf32>
    %broadcast_in_dim3A_475 = vector.broadcast %jit3A_472 : f32 to vector<7x512xf32>
    %select_n3A_476 = arith.select %eq3A_206, %broadcast_in_dim3A_474, %broadcast_in_dim3A_475 : vector<7x512xi1>, vector<7x512xf32>
    %add3A_477 = arith.addf %select_n3A_470, %select_n3A_476 : vector<7x512xf32>
    %slice3A_478 = vector.extract_strided_slice %squeeze3A_11 {offsets = [2, 0], sizes = [1, 512], strides = [1, 1]} : vector<7x512xf32> to vector<1x512xf32>
    %jit3A_479 = arith.constant 0.000000e+00 : f32
    %broadcast_in_dim3A_480 = vector.shape_cast %slice3A_478 : vector<1x512xf32> to vector<1x512xf32>
    %broadcast_in_dim3A_481 = vector.broadcast %broadcast_in_dim3A_480 : vector<1x512xf32> to vector<7x512xf32>
    %broadcast_in_dim3A_482 = vector.broadcast %jit3A_479 : f32 to vector<7x512xf32>
    %select_n3A_483 = arith.select %eq3A_210, %broadcast_in_dim3A_481, %broadcast_in_dim3A_482 : vector<7x512xi1>, vector<7x512xf32>
    %add3A_484 = arith.addf %add3A_477, %select_n3A_483 : vector<7x512xf32>
    %slice3A_485 = vector.extract_strided_slice %squeeze3A_11 {offsets = [3, 0], sizes = [1, 512], strides = [1, 1]} : vector<7x512xf32> to vector<1x512xf32>
    %jit3A_486 = arith.constant 0.000000e+00 : f32
    %broadcast_in_dim3A_487 = vector.shape_cast %slice3A_485 : vector<1x512xf32> to vector<1x512xf32>
    %broadcast_in_dim3A_488 = vector.broadcast %broadcast_in_dim3A_487 : vector<1x512xf32> to vector<7x512xf32>
    %broadcast_in_dim3A_489 = vector.broadcast %jit3A_486 : f32 to vector<7x512xf32>
    %select_n3A_490 = arith.select %eq3A_214, %broadcast_in_dim3A_488, %broadcast_in_dim3A_489 : vector<7x512xi1>, vector<7x512xf32>
    %add3A_491 = arith.addf %add3A_484, %select_n3A_490 : vector<7x512xf32>
    %slice3A_492 = vector.extract_strided_slice %squeeze3A_11 {offsets = [4, 0], sizes = [1, 512], strides = [1, 1]} : vector<7x512xf32> to vector<1x512xf32>
    %jit3A_493 = arith.constant 0.000000e+00 : f32
    %broadcast_in_dim3A_494 = vector.shape_cast %slice3A_492 : vector<1x512xf32> to vector<1x512xf32>
    %broadcast_in_dim3A_495 = vector.broadcast %broadcast_in_dim3A_494 : vector<1x512xf32> to vector<7x512xf32>
    %broadcast_in_dim3A_496 = vector.broadcast %jit3A_493 : f32 to vector<7x512xf32>
    %select_n3A_497 = arith.select %eq3A_218, %broadcast_in_dim3A_495, %broadcast_in_dim3A_496 : vector<7x512xi1>, vector<7x512xf32>
    %add3A_498 = arith.addf %add3A_491, %select_n3A_497 : vector<7x512xf32>
    %slice3A_499 = vector.extract_strided_slice %squeeze3A_11 {offsets = [5, 0], sizes = [1, 512], strides = [1, 1]} : vector<7x512xf32> to vector<1x512xf32>
    %jit3A_500 = arith.constant 0.000000e+00 : f32
    %broadcast_in_dim3A_501 = vector.shape_cast %slice3A_499 : vector<1x512xf32> to vector<1x512xf32>
    %broadcast_in_dim3A_502 = vector.broadcast %broadcast_in_dim3A_501 : vector<1x512xf32> to vector<7x512xf32>
    %broadcast_in_dim3A_503 = vector.broadcast %jit3A_500 : f32 to vector<7x512xf32>
    %select_n3A_504 = arith.select %eq3A_222, %broadcast_in_dim3A_502, %broadcast_in_dim3A_503 : vector<7x512xi1>, vector<7x512xf32>
    %add3A_505 = arith.addf %add3A_498, %select_n3A_504 : vector<7x512xf32>
    %slice3A_506 = vector.extract_strided_slice %squeeze3A_11 {offsets = [6, 0], sizes = [1, 512], strides = [1, 1]} : vector<7x512xf32> to vector<1x512xf32>
    %jit3A_507 = arith.constant 0.000000e+00 : f32
    %broadcast_in_dim3A_508 = vector.shape_cast %slice3A_506 : vector<1x512xf32> to vector<1x512xf32>
    %broadcast_in_dim3A_509 = vector.broadcast %broadcast_in_dim3A_508 : vector<1x512xf32> to vector<7x512xf32>
    %broadcast_in_dim3A_510 = vector.broadcast %jit3A_507 : f32 to vector<7x512xf32>
    %select_n3A_511 = arith.select %eq3A_226, %broadcast_in_dim3A_509, %broadcast_in_dim3A_510 : vector<7x512xi1>, vector<7x512xf32>
    %add3A_512 = arith.addf %add3A_505, %select_n3A_511 : vector<7x512xf32>
    %sub3A_513 = vector.broadcast %get3A_16 : vector<1x512xf32> to vector<7x512xf32>
    %sub3A_514 = arith.subf %add3A_320, %sub3A_513 : vector<7x512xf32>
    %sub3A_515 = vector.broadcast %get3A_21 : vector<1x512xf32> to vector<7x512xf32>
    %sub3A_516 = arith.subf %add3A_368, %sub3A_515 : vector<7x512xf32>
    %sub3A_517 = vector.broadcast %get3A_26 : vector<1x512xf32> to vector<7x512xf32>
    %sub3A_518 = arith.subf %add3A_416, %sub3A_517 : vector<7x512xf32>
    %sub3A_519 = vector.broadcast %get3A_31 : vector<1x512xf32> to vector<7x512xf32>
    %sub3A_520 = arith.subf %add3A_464, %sub3A_519 : vector<7x512xf32>
    %sub3A_521 = vector.broadcast %get3A_36 : vector<1x512xf32> to vector<7x512xf32>
    %sub3A_522 = arith.subf %add3A_512, %sub3A_521 : vector<7x512xf32>
    %slice3A_523 = vector.extract_strided_slice %add3A_43 {offsets = [0, 0], sizes = [1, 512], strides = [1, 1]} : vector<7x512xf32> to vector<1x512xf32>
    %jit3A_524 = arith.constant 0.000000e+00 : f32
    %broadcast_in_dim3A_525 = vector.shape_cast %slice3A_523 : vector<1x512xf32> to vector<1x512xf32>
    %broadcast_in_dim3A_526 = vector.broadcast %broadcast_in_dim3A_525 : vector<1x512xf32> to vector<7x512xf32>
    %broadcast_in_dim3A_527 = vector.broadcast %jit3A_524 : f32 to vector<7x512xf32>
    %select_n3A_528 = arith.select %eq3A_202, %broadcast_in_dim3A_526, %broadcast_in_dim3A_527 : vector<7x512xi1>, vector<7x512xf32>
    %slice3A_529 = vector.extract_strided_slice %add3A_43 {offsets = [1, 0], sizes = [1, 512], strides = [1, 1]} : vector<7x512xf32> to vector<1x512xf32>
    %jit3A_530 = arith.constant 0.000000e+00 : f32
    %broadcast_in_dim3A_531 = vector.shape_cast %slice3A_529 : vector<1x512xf32> to vector<1x512xf32>
    %broadcast_in_dim3A_532 = vector.broadcast %broadcast_in_dim3A_531 : vector<1x512xf32> to vector<7x512xf32>
    %broadcast_in_dim3A_533 = vector.broadcast %jit3A_530 : f32 to vector<7x512xf32>
    %select_n3A_534 = arith.select %eq3A_206, %broadcast_in_dim3A_532, %broadcast_in_dim3A_533 : vector<7x512xi1>, vector<7x512xf32>
    %add3A_535 = arith.addf %select_n3A_528, %select_n3A_534 : vector<7x512xf32>
    %slice3A_536 = vector.extract_strided_slice %add3A_43 {offsets = [2, 0], sizes = [1, 512], strides = [1, 1]} : vector<7x512xf32> to vector<1x512xf32>
    %jit3A_537 = arith.constant 0.000000e+00 : f32
    %broadcast_in_dim3A_538 = vector.shape_cast %slice3A_536 : vector<1x512xf32> to vector<1x512xf32>
    %broadcast_in_dim3A_539 = vector.broadcast %broadcast_in_dim3A_538 : vector<1x512xf32> to vector<7x512xf32>
    %broadcast_in_dim3A_540 = vector.broadcast %jit3A_537 : f32 to vector<7x512xf32>
    %select_n3A_541 = arith.select %eq3A_210, %broadcast_in_dim3A_539, %broadcast_in_dim3A_540 : vector<7x512xi1>, vector<7x512xf32>
    %add3A_542 = arith.addf %add3A_535, %select_n3A_541 : vector<7x512xf32>
    %slice3A_543 = vector.extract_strided_slice %add3A_43 {offsets = [3, 0], sizes = [1, 512], strides = [1, 1]} : vector<7x512xf32> to vector<1x512xf32>
    %jit3A_544 = arith.constant 0.000000e+00 : f32
    %broadcast_in_dim3A_545 = vector.shape_cast %slice3A_543 : vector<1x512xf32> to vector<1x512xf32>
    %broadcast_in_dim3A_546 = vector.broadcast %broadcast_in_dim3A_545 : vector<1x512xf32> to vector<7x512xf32>
    %broadcast_in_dim3A_547 = vector.broadcast %jit3A_544 : f32 to vector<7x512xf32>
    %select_n3A_548 = arith.select %eq3A_214, %broadcast_in_dim3A_546, %broadcast_in_dim3A_547 : vector<7x512xi1>, vector<7x512xf32>
    %add3A_549 = arith.addf %add3A_542, %select_n3A_548 : vector<7x512xf32>
    %slice3A_550 = vector.extract_strided_slice %add3A_43 {offsets = [4, 0], sizes = [1, 512], strides = [1, 1]} : vector<7x512xf32> to vector<1x512xf32>
    %jit3A_551 = arith.constant 0.000000e+00 : f32
    %broadcast_in_dim3A_552 = vector.shape_cast %slice3A_550 : vector<1x512xf32> to vector<1x512xf32>
    %broadcast_in_dim3A_553 = vector.broadcast %broadcast_in_dim3A_552 : vector<1x512xf32> to vector<7x512xf32>
    %broadcast_in_dim3A_554 = vector.broadcast %jit3A_551 : f32 to vector<7x512xf32>
    %select_n3A_555 = arith.select %eq3A_218, %broadcast_in_dim3A_553, %broadcast_in_dim3A_554 : vector<7x512xi1>, vector<7x512xf32>
    %add3A_556 = arith.addf %add3A_549, %select_n3A_555 : vector<7x512xf32>
    %slice3A_557 = vector.extract_strided_slice %add3A_43 {offsets = [5, 0], sizes = [1, 512], strides = [1, 1]} : vector<7x512xf32> to vector<1x512xf32>
    %jit3A_558 = arith.constant 0.000000e+00 : f32
    %broadcast_in_dim3A_559 = vector.shape_cast %slice3A_557 : vector<1x512xf32> to vector<1x512xf32>
    %broadcast_in_dim3A_560 = vector.broadcast %broadcast_in_dim3A_559 : vector<1x512xf32> to vector<7x512xf32>
    %broadcast_in_dim3A_561 = vector.broadcast %jit3A_558 : f32 to vector<7x512xf32>
    %select_n3A_562 = arith.select %eq3A_222, %broadcast_in_dim3A_560, %broadcast_in_dim3A_561 : vector<7x512xi1>, vector<7x512xf32>
    %add3A_563 = arith.addf %add3A_556, %select_n3A_562 : vector<7x512xf32>
    %slice3A_564 = vector.extract_strided_slice %add3A_43 {offsets = [6, 0], sizes = [1, 512], strides = [1, 1]} : vector<7x512xf32> to vector<1x512xf32>
    %jit3A_565 = arith.constant 0.000000e+00 : f32
    %broadcast_in_dim3A_566 = vector.shape_cast %slice3A_564 : vector<1x512xf32> to vector<1x512xf32>
    %broadcast_in_dim3A_567 = vector.broadcast %broadcast_in_dim3A_566 : vector<1x512xf32> to vector<7x512xf32>
    %broadcast_in_dim3A_568 = vector.broadcast %jit3A_565 : f32 to vector<7x512xf32>
    %select_n3A_569 = arith.select %eq3A_226, %broadcast_in_dim3A_567, %broadcast_in_dim3A_568 : vector<7x512xi1>, vector<7x512xf32>
    %add3A_570 = arith.addf %add3A_563, %select_n3A_569 : vector<7x512xf32>
    %slice3A_571 = vector.extract_strided_slice %add3A_320 {offsets = [1, 0], sizes = [6, 512], strides = [1, 1]} : vector<7x512xf32> to vector<6x512xf32>
    %slice3A_572 = vector.extract_strided_slice %add3A_320 {offsets = [0, 0], sizes = [1, 512], strides = [1, 1]} : vector<7x512xf32> to vector<1x512xf32>
    %concatenate3A = tpu.concatenate %slice3A_571, %slice3A_572 in 0 : vector<6x512xf32>, vector<1x512xf32> -> vector<7x512xf32>
    %slice3A_573 = vector.extract_strided_slice %add3A_368 {offsets = [1, 0], sizes = [6, 512], strides = [1, 1]} : vector<7x512xf32> to vector<6x512xf32>
    %slice3A_574 = vector.extract_strided_slice %add3A_368 {offsets = [0, 0], sizes = [1, 512], strides = [1, 1]} : vector<7x512xf32> to vector<1x512xf32>
    %concatenate3A_575 = tpu.concatenate %slice3A_573, %slice3A_574 in 0 : vector<6x512xf32>, vector<1x512xf32> -> vector<7x512xf32>
    %slice3A_576 = vector.extract_strided_slice %add3A_416 {offsets = [1, 0], sizes = [6, 512], strides = [1, 1]} : vector<7x512xf32> to vector<6x512xf32>
    %slice3A_577 = vector.extract_strided_slice %add3A_416 {offsets = [0, 0], sizes = [1, 512], strides = [1, 1]} : vector<7x512xf32> to vector<1x512xf32>
    %concatenate3A_578 = tpu.concatenate %slice3A_576, %slice3A_577 in 0 : vector<6x512xf32>, vector<1x512xf32> -> vector<7x512xf32>
    %slice3A_579 = vector.extract_strided_slice %add3A_464 {offsets = [1, 0], sizes = [6, 512], strides = [1, 1]} : vector<7x512xf32> to vector<6x512xf32>
    %slice3A_580 = vector.extract_strided_slice %add3A_464 {offsets = [0, 0], sizes = [1, 512], strides = [1, 1]} : vector<7x512xf32> to vector<1x512xf32>
    %concatenate3A_581 = tpu.concatenate %slice3A_579, %slice3A_580 in 0 : vector<6x512xf32>, vector<1x512xf32> -> vector<7x512xf32>
    %slice3A_582 = vector.extract_strided_slice %add3A_512 {offsets = [1, 0], sizes = [6, 512], strides = [1, 1]} : vector<7x512xf32> to vector<6x512xf32>
    %slice3A_583 = vector.extract_strided_slice %add3A_512 {offsets = [0, 0], sizes = [1, 512], strides = [1, 1]} : vector<7x512xf32> to vector<1x512xf32>
    %concatenate3A_584 = tpu.concatenate %slice3A_582, %slice3A_583 in 0 : vector<6x512xf32>, vector<1x512xf32> -> vector<7x512xf32>
    %slice3A_585 = vector.extract_strided_slice %sub3A_514 {offsets = [1, 0], sizes = [6, 512], strides = [1, 1]} : vector<7x512xf32> to vector<6x512xf32>
    %slice3A_586 = vector.extract_strided_slice %sub3A_514 {offsets = [0, 0], sizes = [1, 512], strides = [1, 1]} : vector<7x512xf32> to vector<1x512xf32>
    %concatenate3A_587 = tpu.concatenate %slice3A_585, %slice3A_586 in 0 : vector<6x512xf32>, vector<1x512xf32> -> vector<7x512xf32>
    %slice3A_588 = vector.extract_strided_slice %sub3A_516 {offsets = [1, 0], sizes = [6, 512], strides = [1, 1]} : vector<7x512xf32> to vector<6x512xf32>
    %slice3A_589 = vector.extract_strided_slice %sub3A_516 {offsets = [0, 0], sizes = [1, 512], strides = [1, 1]} : vector<7x512xf32> to vector<1x512xf32>
    %concatenate3A_590 = tpu.concatenate %slice3A_588, %slice3A_589 in 0 : vector<6x512xf32>, vector<1x512xf32> -> vector<7x512xf32>
    %slice3A_591 = vector.extract_strided_slice %sub3A_518 {offsets = [1, 0], sizes = [6, 512], strides = [1, 1]} : vector<7x512xf32> to vector<6x512xf32>
    %slice3A_592 = vector.extract_strided_slice %sub3A_518 {offsets = [0, 0], sizes = [1, 512], strides = [1, 1]} : vector<7x512xf32> to vector<1x512xf32>
    %concatenate3A_593 = tpu.concatenate %slice3A_591, %slice3A_592 in 0 : vector<6x512xf32>, vector<1x512xf32> -> vector<7x512xf32>
    %slice3A_594 = vector.extract_strided_slice %sub3A_520 {offsets = [1, 0], sizes = [6, 512], strides = [1, 1]} : vector<7x512xf32> to vector<6x512xf32>
    %slice3A_595 = vector.extract_strided_slice %sub3A_520 {offsets = [0, 0], sizes = [1, 512], strides = [1, 1]} : vector<7x512xf32> to vector<1x512xf32>
    %concatenate3A_596 = tpu.concatenate %slice3A_594, %slice3A_595 in 0 : vector<6x512xf32>, vector<1x512xf32> -> vector<7x512xf32>
    %slice3A_597 = vector.extract_strided_slice %sub3A_522 {offsets = [1, 0], sizes = [6, 512], strides = [1, 1]} : vector<7x512xf32> to vector<6x512xf32>
    %slice3A_598 = vector.extract_strided_slice %sub3A_522 {offsets = [0, 0], sizes = [1, 512], strides = [1, 1]} : vector<7x512xf32> to vector<1x512xf32>
    %concatenate3A_599 = tpu.concatenate %slice3A_597, %slice3A_598 in 0 : vector<6x512xf32>, vector<1x512xf32> -> vector<7x512xf32>
    %slice3A_600 = vector.extract_strided_slice %add3A_570 {offsets = [1, 0], sizes = [6, 512], strides = [1, 1]} : vector<7x512xf32> to vector<6x512xf32>
    %slice3A_601 = vector.extract_strided_slice %add3A_570 {offsets = [0, 0], sizes = [1, 512], strides = [1, 1]} : vector<7x512xf32> to vector<1x512xf32>
    %concatenate3A_602 = tpu.concatenate %slice3A_600, %slice3A_601 in 0 : vector<6x512xf32>, vector<1x512xf32> -> vector<7x512xf32>
    %mul3A = arith.mulf %sub3A_514, %sub3A_514 : vector<7x512xf32>
    %mul3A_603 = arith.mulf %sub3A_516, %sub3A_516 : vector<7x512xf32>
    %add3A_604 = arith.addf %mul3A, %mul3A_603 : vector<7x512xf32>
    %sqrt3A = math.sqrt %add3A_604 : vector<7x512xf32>
    %mul3A_605 = arith.mulf %concatenate3A_587, %concatenate3A_587 : vector<7x512xf32>
    %mul3A_606 = arith.mulf %concatenate3A_590, %concatenate3A_590 : vector<7x512xf32>
    %add3A_607 = arith.addf %mul3A_605, %mul3A_606 : vector<7x512xf32>
    %sqrt3A_608 = math.sqrt %add3A_607 : vector<7x512xf32>
    %sub3A_609 = arith.subf %concatenate3A_602, %add3A_570 : vector<7x512xf32>
    %sub3A_610 = arith.constant 5.000000e-01 : f32
    %sub3A_611 = vector.broadcast %sub3A_610 : f32 to vector<7x512xf32>
    %sub3A_612 = arith.subf %sub3A_609, %sub3A_611 : vector<7x512xf32>
    %mul3A_613 = arith.constant 6.28318548 : f32
    %mul3A_614 = vector.broadcast %mul3A_613 : f32 to vector<7x512xf32>
    %mul3A_615 = arith.mulf %sub3A_612, %mul3A_614 : vector<7x512xf32>
    %sin3A = math.sin %mul3A_615 : vector<7x512xf32>
    %abs3A = math.absf %sin3A : vector<7x512xf32>
    %broadcast_in_dim3A_616 = arith.constant 1.000000e+00 : f32
    %broadcast_in_dim3A_617 = vector.broadcast %broadcast_in_dim3A_616 : f32 to vector<7x512xf32>
    %mul3A_618 = vector.broadcast %get3A_16 : vector<1x512xf32> to vector<7x512xf32>
    %mul3A_619 = arith.mulf %mul3A_618, %broadcast_in_dim3A_617 : vector<7x512xf32>
    %mul3A_620 = vector.broadcast %get3A_21 : vector<1x512xf32> to vector<7x512xf32>
    %mul3A_621 = arith.mulf %mul3A_620, %broadcast_in_dim3A_617 : vector<7x512xf32>
    %mul3A_622 = vector.broadcast %get3A_26 : vector<1x512xf32> to vector<7x512xf32>
    %mul3A_623 = arith.mulf %mul3A_622, %broadcast_in_dim3A_617 : vector<7x512xf32>
    %mul3A_624 = vector.broadcast %get3A_31 : vector<1x512xf32> to vector<7x512xf32>
    %mul3A_625 = arith.mulf %mul3A_624, %broadcast_in_dim3A_617 : vector<7x512xf32>
    %mul3A_626 = vector.broadcast %get3A_36 : vector<1x512xf32> to vector<7x512xf32>
    %mul3A_627 = arith.mulf %mul3A_626, %broadcast_in_dim3A_617 : vector<7x512xf32>
    %stack3A = vector.shape_cast %mul3A_619 : vector<7x512xf32> to vector<7x1x512xf32>
    %stack3A_628 = vector.shape_cast %mul3A_621 : vector<7x512xf32> to vector<7x1x512xf32>
    %stack3A_629 = vector.shape_cast %mul3A_623 : vector<7x512xf32> to vector<7x1x512xf32>
    %stack3A_630 = vector.shape_cast %mul3A_625 : vector<7x512xf32> to vector<7x1x512xf32>
    %stack3A_631 = vector.shape_cast %mul3A_627 : vector<7x512xf32> to vector<7x1x512xf32>
    %stack3A_632 = vector.shape_cast %add3A_320 : vector<7x512xf32> to vector<7x1x512xf32>
    %stack3A_633 = vector.shape_cast %add3A_368 : vector<7x512xf32> to vector<7x1x512xf32>
    %stack3A_634 = vector.shape_cast %add3A_416 : vector<7x512xf32> to vector<7x1x512xf32>
    %stack3A_635 = vector.shape_cast %add3A_464 : vector<7x512xf32> to vector<7x1x512xf32>
    %stack3A_636 = vector.shape_cast %add3A_512 : vector<7x512xf32> to vector<7x1x512xf32>
    %stack3A_637 = vector.shape_cast %sub3A_514 : vector<7x512xf32> to vector<7x1x512xf32>
    %stack3A_638 = vector.shape_cast %sub3A_516 : vector<7x512xf32> to vector<7x1x512xf32>
    %stack3A_639 = vector.shape_cast %sub3A_518 : vector<7x512xf32> to vector<7x1x512xf32>
    %stack3A_640 = vector.shape_cast %sub3A_520 : vector<7x512xf32> to vector<7x1x512xf32>
    %stack3A_641 = vector.shape_cast %sub3A_522 : vector<7x512xf32> to vector<7x1x512xf32>
    %stack3A_642 = vector.shape_cast %concatenate3A : vector<7x512xf32> to vector<7x1x512xf32>
    %stack3A_643 = vector.shape_cast %concatenate3A_575 : vector<7x512xf32> to vector<7x1x512xf32>
    %stack3A_644 = vector.shape_cast %concatenate3A_578 : vector<7x512xf32> to vector<7x1x512xf32>
    %stack3A_645 = vector.shape_cast %concatenate3A_581 : vector<7x512xf32> to vector<7x1x512xf32>
    %stack3A_646 = vector.shape_cast %concatenate3A_584 : vector<7x512xf32> to vector<7x1x512xf32>
    %stack3A_647 = vector.shape_cast %concatenate3A_587 : vector<7x512xf32> to vector<7x1x512xf32>
    %stack3A_648 = vector.shape_cast %concatenate3A_590 : vector<7x512xf32> to vector<7x1x512xf32>
    %stack3A_649 = vector.shape_cast %concatenate3A_593 : vector<7x512xf32> to vector<7x1x512xf32>
    %stack3A_650 = vector.shape_cast %concatenate3A_596 : vector<7x512xf32> to vector<7x1x512xf32>
    %stack3A_651 = vector.shape_cast %concatenate3A_599 : vector<7x512xf32> to vector<7x1x512xf32>
    %stack3A_652 = vector.shape_cast %sqrt3A : vector<7x512xf32> to vector<7x1x512xf32>
    %stack3A_653 = vector.shape_cast %sqrt3A_608 : vector<7x512xf32> to vector<7x1x512xf32>
    %stack3A_654 = vector.shape_cast %abs3A : vector<7x512xf32> to vector<7x1x512xf32>
    %stack3A_655 = tpu.concatenate %stack3A, %stack3A_628, %stack3A_629, %stack3A_630, %stack3A_631, %stack3A_632, %stack3A_633, %stack3A_634, %stack3A_635, %stack3A_636, %stack3A_637, %stack3A_638, %stack3A_639, %stack3A_640, %stack3A_641, %stack3A_642, %stack3A_643, %stack3A_644, %stack3A_645, %stack3A_646, %stack3A_647, %stack3A_648, %stack3A_649, %stack3A_650, %stack3A_651, %stack3A_652, %stack3A_653, %stack3A_654 in 1 : vector<7x1x512xf32>, vector<7x1x512xf32>, vector<7x1x512xf32>, vector<7x1x512xf32>, vector<7x1x512xf32>, vector<7x1x512xf32>, vector<7x1x512xf32>, vector<7x1x512xf32>, vector<7x1x512xf32>, vector<7x1x512xf32>, vector<7x1x512xf32>, vector<7x1x512xf32>, vector<7x1x512xf32>, vector<7x1x512xf32>, vector<7x1x512xf32>, vector<7x1x512xf32>, vector<7x1x512xf32>, vector<7x1x512xf32>, vector<7x1x512xf32>, vector<7x1x512xf32>, vector<7x1x512xf32>, vector<7x1x512xf32>, vector<7x1x512xf32>, vector<7x1x512xf32>, vector<7x1x512xf32>, vector<7x1x512xf32>, vector<7x1x512xf32>, vector<7x1x512xf32> -> vector<7x28x512xf32>
    %reshape3A_656 = vector.shape_cast %stack3A_655 : vector<7x28x512xf32> to vector<196x512xf32>
    %transpose3A_657 = tpu.transpose %reshape3A_656, [1, 0] : vector<196x512xf32> -> vector<512x196xf32>
    %swap3A_658 = arith.constant 0 : index
    %swap3A_659 = arith.constant 0 : index
    %swap3A_660 = arith.constant 0 : index
    %swap3A_661 = vector.load %arg7[%swap3A_658, %swap3A_659, %swap3A_660] : memref<1x512x196xf32, #tpu.memory_space<vmem>>, vector<1x512x196xf32>
    %swap3A_662 = vector.shape_cast %swap3A_661 : vector<1x512x196xf32> to vector<512x196xf32>
    %swap3A_663 = vector.shape_cast %transpose3A_657 : vector<512x196xf32> to vector<1x512x196xf32>
    tpu.vector_store %arg7[%swap3A_658, %swap3A_659, %swap3A_660], %swap3A_663 {strides = array<i32>} : memref<1x512x196xf32, #tpu.memory_space<vmem>>, vector<1x512x196xf32>,
    %mul3A_664 = arith.mulf %sub3A_514, %concatenate3A_590 : vector<7x512xf32>
    %mul3A_665 = arith.mulf %sub3A_516, %concatenate3A_587 : vector<7x512xf32>
    %sub3A_666 = arith.subf %mul3A_664, %mul3A_665 : vector<7x512xf32>
    %abs3A_667 = math.absf %sub3A_666 : vector<7x512xf32>
    %mul3A_668 = arith.constant 5.000000e-01 : f32
    %mul3A_669 = vector.broadcast %mul3A_668 : f32 to vector<7x512xf32>
    %mul3A_670 = arith.mulf %mul3A_669, %abs3A_667 : vector<7x512xf32>
    %reduce_sum3A_671 = arith.constant dense<0.000000e+00> : vector<512xf32>
    %reduce_sum3A_672 = vector.multi_reduction <add>, %mul3A_670, %reduce_sum3A_671 [0] : vector<7x512xf32> to vector<512xf32>
    %broadcast_in_dim3A_673 = vector.shape_cast %reduce_sum3A_672 : vector<512xf32> to vector<1x512xf32>
    %eq3A_674 = arith.constant 0.000000e+00 : f32
    %eq3A_675 = vector.broadcast %eq3A_674 : f32 to vector<1x512xf32>
    %eq3A_676 = arith.cmpf oeq, %broadcast_in_dim3A_673, %eq3A_675 : vector<1x512xf32>
    %jit3A_677 = arith.constant 1.000000e+04 : f32
    %broadcast_in_dim3A_678 = vector.broadcast %jit3A_677 : f32 to vector<1x512xf32>
    %select_n3A_679 = arith.select %eq3A_676, %broadcast_in_dim3A_678, %broadcast_in_dim3A_673 : vector<1x512xi1>, vector<1x512xf32>
    %div3A_680 = vector.broadcast %select_n3A_679 : vector<1x512xf32> to vector<7x512xf32>
    %div3A_681 = arith.divf %mul3A_670, %div3A_680 : vector<7x512xf32>
    %mul3A_682 = arith.mulf %sub3A_516, %concatenate3A_593 : vector<7x512xf32>
    %mul3A_683 = arith.mulf %sub3A_518, %concatenate3A_590 : vector<7x512xf32>
    %sub3A_684 = arith.subf %mul3A_682, %mul3A_683 : vector<7x512xf32>
    %mul3A_685 = arith.mulf %sub3A_518, %concatenate3A_587 : vector<7x512xf32>
    %mul3A_686 = arith.mulf %sub3A_514, %concatenate3A_593 : vector<7x512xf32>
    %sub3A_687 = arith.subf %mul3A_685, %mul3A_686 : vector<7x512xf32>
    %mul3A_688 = arith.mulf %sub3A_514, %concatenate3A_590 : vector<7x512xf32>
    %mul3A_689 = arith.mulf %sub3A_516, %concatenate3A_587 : vector<7x512xf32>
    %sub3A_690 = arith.subf %mul3A_688, %mul3A_689 : vector<7x512xf32>
    %mul3A_691 = arith.mulf %sub3A_684, %sub3A_684 : vector<7x512xf32>
    %mul3A_692 = arith.mulf %sub3A_687, %sub3A_687 : vector<7x512xf32>
    %add3A_693 = arith.addf %mul3A_691, %mul3A_692 : vector<7x512xf32>
    %mul3A_694 = arith.mulf %sub3A_690, %sub3A_690 : vector<7x512xf32>
    %add3A_695 = arith.addf %add3A_693, %mul3A_694 : vector<7x512xf32>
    %sqrt3A_696 = math.sqrt %add3A_695 : vector<7x512xf32>
    %eq3A_697 = arith.constant 0.000000e+00 : f32
    %eq3A_698 = vector.broadcast %eq3A_697 : f32 to vector<7x512xf32>
    %eq3A_699 = arith.cmpf oeq, %sqrt3A_696, %eq3A_698 : vector<7x512xf32>
    %jit3A_700 = arith.constant 1.000000e+00 : f32
    %broadcast_in_dim3A_701 = vector.broadcast %jit3A_700 : f32 to vector<7x512xf32>
    %select_n3A_702 = arith.select %eq3A_699, %broadcast_in_dim3A_701, %sqrt3A_696 : vector<7x512xi1>, vector<7x512xf32>
    %div3A_703 = arith.divf %sub3A_684, %select_n3A_702 : vector<7x512xf32>
    %mul3A_704 = arith.mulf %div3A_703, %div3A_681 : vector<7x512xf32>
    %reduce_sum3A_705 = arith.constant dense<0.000000e+00> : vector<512xf32>
    %reduce_sum3A_706 = vector.multi_reduction <add>, %mul3A_704, %reduce_sum3A_705 [0] : vector<7x512xf32> to vector<512xf32>
    %broadcast_in_dim3A_707 = vector.shape_cast %reduce_sum3A_706 : vector<512xf32> to vector<1x512xf32>
    %div3A_708 = arith.divf %sub3A_687, %select_n3A_702 : vector<7x512xf32>
    %mul3A_709 = arith.mulf %div3A_708, %div3A_681 : vector<7x512xf32>
    %reduce_sum3A_710 = arith.constant dense<0.000000e+00> : vector<512xf32>
    %reduce_sum3A_711 = vector.multi_reduction <add>, %mul3A_709, %reduce_sum3A_710 [0] : vector<7x512xf32> to vector<512xf32>
    %broadcast_in_dim3A_712 = vector.shape_cast %reduce_sum3A_711 : vector<512xf32> to vector<1x512xf32>
    %div3A_713 = arith.divf %sub3A_690, %select_n3A_702 : vector<7x512xf32>
    %mul3A_714 = arith.mulf %div3A_713, %div3A_681 : vector<7x512xf32>
    %reduce_sum3A_715 = arith.constant dense<0.000000e+00> : vector<512xf32>
    %reduce_sum3A_716 = vector.multi_reduction <add>, %mul3A_714, %reduce_sum3A_715 [0] : vector<7x512xf32> to vector<512xf32>
    %broadcast_in_dim3A_717 = vector.shape_cast %reduce_sum3A_716 : vector<512xf32> to vector<1x512xf32>
    %eq3A_718 = arith.constant 0.000000e+00 : f32
    %eq3A_719 = vector.broadcast %eq3A_718 : f32 to vector<1x512xf32>
    %eq3A_720 = arith.cmpf oeq, %broadcast_in_dim3A_717, %eq3A_719 : vector<1x512xf32>
    %jit3A_721 = arith.constant 1.000000e+00 : f32
    %broadcast_in_dim3A_722 = vector.broadcast %jit3A_721 : f32 to vector<1x512xf32>
    %select_n3A_723 = arith.select %eq3A_720, %broadcast_in_dim3A_722, %broadcast_in_dim3A_717 : vector<1x512xi1>, vector<1x512xf32>
    %eq3A_724 = arith.constant 0.000000e+00 : f32
    %eq3A_725 = vector.broadcast %eq3A_724 : f32 to vector<1x512xf32>
    %eq3A_726 = arith.cmpf oeq, %broadcast_in_dim3A_717, %eq3A_725 : vector<1x512xf32>
    %neg3A = arith.constant 0.000000e+00 : f32
    %neg3A_727 = vector.broadcast %neg3A : f32 to vector<1x512xf32>
    %neg3A_728 = arith.subf %neg3A_727, %broadcast_in_dim3A_707 : vector<1x512xf32>
    %div3A_729 = arith.divf %neg3A_728, %select_n3A_723 : vector<1x512xf32>
    %jit3A_730 = arith.constant 0.000000e+00 : f32
    %broadcast_in_dim3A_731 = vector.broadcast %jit3A_730 : f32 to vector<1x512xf32>
    %select_n3A_732 = arith.select %eq3A_726, %broadcast_in_dim3A_731, %div3A_729 : vector<1x512xi1>, vector<1x512xf32>
    %div3A_733 = arith.constant 1.000000e+04 : f32
    %div3A_734 = vector.broadcast %div3A_733 : f32 to vector<1x512xf32>
    %div3A_735 = arith.divf %select_n3A_732, %div3A_734 : vector<1x512xf32>
    %eq3A_736 = arith.constant 0.000000e+00 : f32
    %eq3A_737 = vector.broadcast %eq3A_736 : f32 to vector<1x512xf32>
    %eq3A_738 = arith.cmpf oeq, %broadcast_in_dim3A_717, %eq3A_737 : vector<1x512xf32>
    %jit3A_739 = arith.constant 1.000000e+00 : f32
    %broadcast_in_dim3A_740 = vector.broadcast %jit3A_739 : f32 to vector<1x512xf32>
    %select_n3A_741 = arith.select %eq3A_738, %broadcast_in_dim3A_740, %broadcast_in_dim3A_717 : vector<1x512xi1>, vector<1x512xf32>
    %eq3A_742 = arith.constant 0.000000e+00 : f32
    %eq3A_743 = vector.broadcast %eq3A_742 : f32 to vector<1x512xf32>
    %eq3A_744 = arith.cmpf oeq, %broadcast_in_dim3A_717, %eq3A_743 : vector<1x512xf32>
    %neg3A_745 = arith.constant 0.000000e+00 : f32
    %neg3A_746 = vector.broadcast %neg3A_745 : f32 to vector<1x512xf32>
    %neg3A_747 = arith.subf %neg3A_746, %broadcast_in_dim3A_712 : vector<1x512xf32>
    %div3A_748 = arith.divf %neg3A_747, %select_n3A_741 : vector<1x512xf32>
    %jit3A_749 = arith.constant 0.000000e+00 : f32
    %broadcast_in_dim3A_750 = vector.broadcast %jit3A_749 : f32 to vector<1x512xf32>
    %select_n3A_751 = arith.select %eq3A_744, %broadcast_in_dim3A_750, %div3A_748 : vector<1x512xi1>, vector<1x512xf32>
    %div3A_752 = arith.constant 1.000000e+04 : f32
    %div3A_753 = vector.broadcast %div3A_752 : f32 to vector<1x512xf32>
    %div3A_754 = arith.divf %select_n3A_751, %div3A_753 : vector<1x512xf32>
    %mul3A_755 = arith.mulf %sub3A_516, %concatenate3A_596 : vector<7x512xf32>
    %mul3A_756 = arith.mulf %sub3A_520, %concatenate3A_590 : vector<7x512xf32>
    %sub3A_757 = arith.subf %mul3A_755, %mul3A_756 : vector<7x512xf32>
    %mul3A_758 = arith.mulf %sub3A_520, %concatenate3A_587 : vector<7x512xf32>
    %mul3A_759 = arith.mulf %sub3A_514, %concatenate3A_596 : vector<7x512xf32>
    %sub3A_760 = arith.subf %mul3A_758, %mul3A_759 : vector<7x512xf32>
    %mul3A_761 = arith.mulf %sub3A_514, %concatenate3A_590 : vector<7x512xf32>
    %mul3A_762 = arith.mulf %sub3A_516, %concatenate3A_587 : vector<7x512xf32>
    %sub3A_763 = arith.subf %mul3A_761, %mul3A_762 : vector<7x512xf32>
    %mul3A_764 = arith.mulf %sub3A_757, %sub3A_757 : vector<7x512xf32>
    %mul3A_765 = arith.mulf %sub3A_760, %sub3A_760 : vector<7x512xf32>
    %add3A_766 = arith.addf %mul3A_764, %mul3A_765 : vector<7x512xf32>
    %mul3A_767 = arith.mulf %sub3A_763, %sub3A_763 : vector<7x512xf32>
    %add3A_768 = arith.addf %add3A_766, %mul3A_767 : vector<7x512xf32>
    %sqrt3A_769 = math.sqrt %add3A_768 : vector<7x512xf32>
    %eq3A_770 = arith.constant 0.000000e+00 : f32
    %eq3A_771 = vector.broadcast %eq3A_770 : f32 to vector<7x512xf32>
    %eq3A_772 = arith.cmpf oeq, %sqrt3A_769, %eq3A_771 : vector<7x512xf32>
    %jit3A_773 = arith.constant 1.000000e+00 : f32
    %broadcast_in_dim3A_774 = vector.broadcast %jit3A_773 : f32 to vector<7x512xf32>
    %select_n3A_775 = arith.select %eq3A_772, %broadcast_in_dim3A_774, %sqrt3A_769 : vector<7x512xi1>, vector<7x512xf32>
    %div3A_776 = arith.divf %sub3A_757, %select_n3A_775 : vector<7x512xf32>
    %mul3A_777 = arith.mulf %div3A_776, %div3A_681 : vector<7x512xf32>
    %reduce_sum3A_778 = arith.constant dense<0.000000e+00> : vector<512xf32>
    %reduce_sum3A_779 = vector.multi_reduction <add>, %mul3A_777, %reduce_sum3A_778 [0] : vector<7x512xf32> to vector<512xf32>
    %broadcast_in_dim3A_780 = vector.shape_cast %reduce_sum3A_779 : vector<512xf32> to vector<1x512xf32>
    %div3A_781 = arith.divf %sub3A_760, %select_n3A_775 : vector<7x512xf32>
    %mul3A_782 = arith.mulf %div3A_781, %div3A_681 : vector<7x512xf32>
    %reduce_sum3A_783 = arith.constant dense<0.000000e+00> : vector<512xf32>
    %reduce_sum3A_784 = vector.multi_reduction <add>, %mul3A_782, %reduce_sum3A_783 [0] : vector<7x512xf32> to vector<512xf32>
    %broadcast_in_dim3A_785 = vector.shape_cast %reduce_sum3A_784 : vector<512xf32> to vector<1x512xf32>
    %div3A_786 = arith.divf %sub3A_763, %select_n3A_775 : vector<7x512xf32>
    %mul3A_787 = arith.mulf %div3A_786, %div3A_681 : vector<7x512xf32>
    %reduce_sum3A_788 = arith.constant dense<0.000000e+00> : vector<512xf32>
    %reduce_sum3A_789 = vector.multi_reduction <add>, %mul3A_787, %reduce_sum3A_788 [0] : vector<7x512xf32> to vector<512xf32>
    %broadcast_in_dim3A_790 = vector.shape_cast %reduce_sum3A_789 : vector<512xf32> to vector<1x512xf32>
    %eq3A_791 = arith.constant 0.000000e+00 : f32
    %eq3A_792 = vector.broadcast %eq3A_791 : f32 to vector<1x512xf32>
    %eq3A_793 = arith.cmpf oeq, %broadcast_in_dim3A_790, %eq3A_792 : vector<1x512xf32>
    %jit3A_794 = arith.constant 1.000000e+00 : f32
    %broadcast_in_dim3A_795 = vector.broadcast %jit3A_794 : f32 to vector<1x512xf32>
    %select_n3A_796 = arith.select %eq3A_793, %broadcast_in_dim3A_795, %broadcast_in_dim3A_790 : vector<1x512xi1>, vector<1x512xf32>
    %eq3A_797 = arith.constant 0.000000e+00 : f32
    %eq3A_798 = vector.broadcast %eq3A_797 : f32 to vector<1x512xf32>
    %eq3A_799 = arith.cmpf oeq, %broadcast_in_dim3A_790, %eq3A_798 : vector<1x512xf32>
    %neg3A_800 = arith.constant 0.000000e+00 : f32
    %neg3A_801 = vector.broadcast %neg3A_800 : f32 to vector<1x512xf32>
    %neg3A_802 = arith.subf %neg3A_801, %broadcast_in_dim3A_780 : vector<1x512xf32>
    %div3A_803 = arith.divf %neg3A_802, %select_n3A_796 : vector<1x512xf32>
    %jit3A_804 = arith.constant 0.000000e+00 : f32
    %broadcast_in_dim3A_805 = vector.broadcast %jit3A_804 : f32 to vector<1x512xf32>
    %select_n3A_806 = arith.select %eq3A_799, %broadcast_in_dim3A_805, %div3A_803 : vector<1x512xi1>, vector<1x512xf32>
    %div3A_807 = arith.constant 1.000000e+04 : f32
    %div3A_808 = vector.broadcast %div3A_807 : f32 to vector<1x512xf32>
    %div3A_809 = arith.divf %select_n3A_806, %div3A_808 : vector<1x512xf32>
    %eq3A_810 = arith.constant 0.000000e+00 : f32
    %eq3A_811 = vector.broadcast %eq3A_810 : f32 to vector<1x512xf32>
    %eq3A_812 = arith.cmpf oeq, %broadcast_in_dim3A_790, %eq3A_811 : vector<1x512xf32>
    %jit3A_813 = arith.constant 1.000000e+00 : f32
    %broadcast_in_dim3A_814 = vector.broadcast %jit3A_813 : f32 to vector<1x512xf32>
    %select_n3A_815 = arith.select %eq3A_812, %broadcast_in_dim3A_814, %broadcast_in_dim3A_790 : vector<1x512xi1>, vector<1x512xf32>
    %eq3A_816 = arith.constant 0.000000e+00 : f32
    %eq3A_817 = vector.broadcast %eq3A_816 : f32 to vector<1x512xf32>
    %eq3A_818 = arith.cmpf oeq, %broadcast_in_dim3A_790, %eq3A_817 : vector<1x512xf32>
    %neg3A_819 = arith.constant 0.000000e+00 : f32
    %neg3A_820 = vector.broadcast %neg3A_819 : f32 to vector<1x512xf32>
    %neg3A_821 = arith.subf %neg3A_820, %broadcast_in_dim3A_785 : vector<1x512xf32>
    %div3A_822 = arith.divf %neg3A_821, %select_n3A_815 : vector<1x512xf32>
    %jit3A_823 = arith.constant 0.000000e+00 : f32
    %broadcast_in_dim3A_824 = vector.broadcast %jit3A_823 : f32 to vector<1x512xf32>
    %select_n3A_825 = arith.select %eq3A_818, %broadcast_in_dim3A_824, %div3A_822 : vector<1x512xi1>, vector<1x512xf32>
    %div3A_826 = arith.constant 1.000000e+04 : f32
    %div3A_827 = vector.broadcast %div3A_826 : f32 to vector<1x512xf32>
    %div3A_828 = arith.divf %select_n3A_825, %div3A_827 : vector<1x512xf32>
    %mul3A_829 = arith.mulf %sub3A_516, %concatenate3A_599 : vector<7x512xf32>
    %mul3A_830 = arith.mulf %sub3A_522, %concatenate3A_590 : vector<7x512xf32>
    %sub3A_831 = arith.subf %mul3A_829, %mul3A_830 : vector<7x512xf32>
    %mul3A_832 = arith.mulf %sub3A_522, %concatenate3A_587 : vector<7x512xf32>
    %mul3A_833 = arith.mulf %sub3A_514, %concatenate3A_599 : vector<7x512xf32>
    %sub3A_834 = arith.subf %mul3A_832, %mul3A_833 : vector<7x512xf32>
    %mul3A_835 = arith.mulf %sub3A_514, %concatenate3A_590 : vector<7x512xf32>
    %mul3A_836 = arith.mulf %sub3A_516, %concatenate3A_587 : vector<7x512xf32>
    %sub3A_837 = arith.subf %mul3A_835, %mul3A_836 : vector<7x512xf32>
    %mul3A_838 = arith.mulf %sub3A_831, %sub3A_831 : vector<7x512xf32>
    %mul3A_839 = arith.mulf %sub3A_834, %sub3A_834 : vector<7x512xf32>
    %add3A_840 = arith.addf %mul3A_838, %mul3A_839 : vector<7x512xf32>
    %mul3A_841 = arith.mulf %sub3A_837, %sub3A_837 : vector<7x512xf32>
    %add3A_842 = arith.addf %add3A_840, %mul3A_841 : vector<7x512xf32>
    %sqrt3A_843 = math.sqrt %add3A_842 : vector<7x512xf32>
    %eq3A_844 = arith.constant 0.000000e+00 : f32
    %eq3A_845 = vector.broadcast %eq3A_844 : f32 to vector<7x512xf32>
    %eq3A_846 = arith.cmpf oeq, %sqrt3A_843, %eq3A_845 : vector<7x512xf32>
    %jit3A_847 = arith.constant 1.000000e+00 : f32
    %broadcast_in_dim3A_848 = vector.broadcast %jit3A_847 : f32 to vector<7x512xf32>
    %select_n3A_849 = arith.select %eq3A_846, %broadcast_in_dim3A_848, %sqrt3A_843 : vector<7x512xi1>, vector<7x512xf32>
    %div3A_850 = arith.divf %sub3A_831, %select_n3A_849 : vector<7x512xf32>
    %mul3A_851 = arith.mulf %div3A_850, %div3A_681 : vector<7x512xf32>
    %reduce_sum3A_852 = arith.constant dense<0.000000e+00> : vector<512xf32>
    %reduce_sum3A_853 = vector.multi_reduction <add>, %mul3A_851, %reduce_sum3A_852 [0] : vector<7x512xf32> to vector<512xf32>
    %broadcast_in_dim3A_854 = vector.shape_cast %reduce_sum3A_853 : vector<512xf32> to vector<1x512xf32>
    %div3A_855 = arith.divf %sub3A_834, %select_n3A_849 : vector<7x512xf32>
    %mul3A_856 = arith.mulf %div3A_855, %div3A_681 : vector<7x512xf32>
    %reduce_sum3A_857 = arith.constant dense<0.000000e+00> : vector<512xf32>
    %reduce_sum3A_858 = vector.multi_reduction <add>, %mul3A_856, %reduce_sum3A_857 [0] : vector<7x512xf32> to vector<512xf32>
    %broadcast_in_dim3A_859 = vector.shape_cast %reduce_sum3A_858 : vector<512xf32> to vector<1x512xf32>
    %div3A_860 = arith.divf %sub3A_837, %select_n3A_849 : vector<7x512xf32>
    %mul3A_861 = arith.mulf %div3A_860, %div3A_681 : vector<7x512xf32>
    %reduce_sum3A_862 = arith.constant dense<0.000000e+00> : vector<512xf32>
    %reduce_sum3A_863 = vector.multi_reduction <add>, %mul3A_861, %reduce_sum3A_862 [0] : vector<7x512xf32> to vector<512xf32>
    %broadcast_in_dim3A_864 = vector.shape_cast %reduce_sum3A_863 : vector<512xf32> to vector<1x512xf32>
    %eq3A_865 = arith.constant 0.000000e+00 : f32
    %eq3A_866 = vector.broadcast %eq3A_865 : f32 to vector<1x512xf32>
    %eq3A_867 = arith.cmpf oeq, %broadcast_in_dim3A_864, %eq3A_866 : vector<1x512xf32>
    %jit3A_868 = arith.constant 1.000000e+00 : f32
    %broadcast_in_dim3A_869 = vector.broadcast %jit3A_868 : f32 to vector<1x512xf32>
    %select_n3A_870 = arith.select %eq3A_867, %broadcast_in_dim3A_869, %broadcast_in_dim3A_864 : vector<1x512xi1>, vector<1x512xf32>
    %eq3A_871 = arith.constant 0.000000e+00 : f32
    %eq3A_872 = vector.broadcast %eq3A_871 : f32 to vector<1x512xf32>
    %eq3A_873 = arith.cmpf oeq, %broadcast_in_dim3A_864, %eq3A_872 : vector<1x512xf32>
    %neg3A_874 = arith.constant 0.000000e+00 : f32
    %neg3A_875 = vector.broadcast %neg3A_874 : f32 to vector<1x512xf32>
    %neg3A_876 = arith.subf %neg3A_875, %broadcast_in_dim3A_854 : vector<1x512xf32>
    %div3A_877 = arith.divf %neg3A_876, %select_n3A_870 : vector<1x512xf32>
    %jit3A_878 = arith.constant 0.000000e+00 : f32
    %broadcast_in_dim3A_879 = vector.broadcast %jit3A_878 : f32 to vector<1x512xf32>
    %select_n3A_880 = arith.select %eq3A_873, %broadcast_in_dim3A_879, %div3A_877 : vector<1x512xi1>, vector<1x512xf32>
    %div3A_881 = arith.constant 1.000000e+04 : f32
    %div3A_882 = vector.broadcast %div3A_881 : f32 to vector<1x512xf32>
    %div3A_883 = arith.divf %select_n3A_880, %div3A_882 : vector<1x512xf32>
    %eq3A_884 = arith.constant 0.000000e+00 : f32
    %eq3A_885 = vector.broadcast %eq3A_884 : f32 to vector<1x512xf32>
    %eq3A_886 = arith.cmpf oeq, %broadcast_in_dim3A_864, %eq3A_885 : vector<1x512xf32>
    %jit3A_887 = arith.constant 1.000000e+00 : f32
    %broadcast_in_dim3A_888 = vector.broadcast %jit3A_887 : f32 to vector<1x512xf32>
    %select_n3A_889 = arith.select %eq3A_886, %broadcast_in_dim3A_888, %broadcast_in_dim3A_864 : vector<1x512xi1>, vector<1x512xf32>
    %eq3A_890 = arith.constant 0.000000e+00 : f32
    %eq3A_891 = vector.broadcast %eq3A_890 : f32 to vector<1x512xf32>
    %eq3A_892 = arith.cmpf oeq, %broadcast_in_dim3A_864, %eq3A_891 : vector<1x512xf32>
    %neg3A_893 = arith.constant 0.000000e+00 : f32
    %neg3A_894 = vector.broadcast %neg3A_893 : f32 to vector<1x512xf32>
    %neg3A_895 = arith.subf %neg3A_894, %broadcast_in_dim3A_859 : vector<1x512xf32>
    %div3A_896 = arith.divf %neg3A_895, %select_n3A_889 : vector<1x512xf32>
    %jit3A_897 = arith.constant 0.000000e+00 : f32
    %broadcast_in_dim3A_898 = vector.broadcast %jit3A_897 : f32 to vector<1x512xf32>
    %select_n3A_899 = arith.select %eq3A_892, %broadcast_in_dim3A_898, %div3A_896 : vector<1x512xi1>, vector<1x512xf32>
    %div3A_900 = arith.constant 1.000000e+04 : f32
    %div3A_901 = vector.broadcast %div3A_900 : f32 to vector<1x512xf32>
    %div3A_902 = arith.divf %select_n3A_899, %div3A_901 : vector<1x512xf32>
    %concatenate3A_903 = tpu.concatenate %div3A_735, %div3A_754, %div3A_809, %div3A_828, %div3A_883, %div3A_902 in 0 : vector<1x512xf32>, vector<1x512xf32>, vector<1x512xf32>, vector<1x512xf32>, vector<1x512xf32>, vector<1x512xf32> -> vector<6x512xf32>
    %transpose3A_904 = tpu.transpose %concatenate3A_903, [1, 0] : vector<6x512xf32> -> vector<512x6xf32>
    %swap3A_905 = arith.constant 0 : index
    %swap3A_906 = arith.constant 0 : index
    %swap3A_907 = arith.constant 0 : index
    %swap3A_908 = vector.load %arg6[%swap3A_905, %swap3A_906, %swap3A_907] : memref<1x512x6xf32, #tpu.memory_space<vmem>>, vector<1x512x6xf32>
    %swap3A_909 = vector.shape_cast %swap3A_908 : vector<1x512x6xf32> to vector<512x6xf32>
    %swap3A_910 = vector.shape_cast %transpose3A_904 : vector<512x6xf32> to vector<1x512x6xf32>
    tpu.vector_store %arg6[%swap3A_905, %swap3A_906, %swap3A_907], %swap3A_910 {strides = array<i32>} : memref<1x512x6xf32, #tpu.memory_space<vmem>>, vector<1x512x6xf32>,
    return
  }
  func.func @transform_0(%arg0: i32, %arg1: i32) -> (i32, i32, i32) {
    %c0_i32 = arith.constant 0 : i32
    %c0_i32_0 = arith.constant 0 : i32
    return %arg0, %arg1, %c0_i32 : i32, i32, i32
  }
  func.func @transform_1(%arg0: i32, %arg1: i32) -> (i32, i32, i32) {
    %c0_i32 = arith.constant 0 : i32
    %c0_i32_0 = arith.constant 0 : i32
    return %arg0, %c0_i32, %arg1 : i32, i32, i32
  }
  func.func @transform_2(%arg0: i32, %arg1: i32) -> (i32, i32, i32) {
    %c0_i32 = arith.constant 0 : i32
    %c0_i32_0 = arith.constant 0 : i32
    return %arg0, %c0_i32, %arg1 : i32, i32, i32
  }
  func.func @transform_3(%arg0: i32, %arg1: i32) -> (i32, i32, i32) {
    %c0_i32 = arith.constant 0 : i32
    %c0_i32_0 = arith.constant 0 : i32
    return %arg0, %arg1, %c0_i32 : i32, i32, i32
  }
  func.func @transform_4(%arg0: i32, %arg1: i32) -> (i32, i32, i32) {
    %c0_i32 = arith.constant 0 : i32
    %c0_i32_0 = arith.constant 0 : i32
    return %arg0, %arg1, %c0_i32 : i32, i32, i32
  }
  func.func @transform_5(%arg0: i32, %arg1: i32) -> (i32, i32, i32) {
    %c0_i32 = arith.constant 0 : i32
    %c0_i32_0 = arith.constant 0 : i32
    return %arg0, %arg1, %c0_i32 : i32, i32, i32
  }
}

</mosaic_0001>

<sc_bundles>
// kernel: kernel.5.cloned.1.call-start
scs
__scs_entry_jumppad:
0x0: {  	(pc) =	sbr.rel $0x88, $3  }
0x1: {  	(tag) =	ssettag $0x0;
	lr =	simm.s32 $0x1  }
0x2: {  	[smem:$0x3F9F] =	sst lr;
	_ =	strace $0xD0000000  }
0x3: {  	_ = 	snop  }
0x4: {  	_ = 	snop  }
0x5: {  	_ = 	snop  }
0x6: {  	_ = 	snop  }
0x7: {  	_ = 	snop  }
__scs_overlays_trampoline_lowered:
0x8: {  	[smem:$0x3FAE] =	sst s0  }
0x9: {  	[smem:$0x3FAF] =	sst s1  }
0xa: {  	[smem:$0x3FB0] =	sst s2  }
0xb: {  	[smem:$0x3FB1] =	sst s3  }
0xc: {  	[smem:$0x3FB2] =	sst s4  }
0xd: {  	[smem:$0x3FB3] =	sst s5  }
0xe: {  	[smem:$0x3FB4] =	sst s6  }
0xf: {  	[smem:$0x3FB5] =	sst s7  }
0x10: {  	[smem:$0x3FB6] =	sst s8  }
0x11: {  	[smem:$0x3FB7] =	sst s9;
	s0 =	simm.s32 @!p0 $0x0  }
0x12: {  	s1 =	sld [smem:$0x3F9D];
	s0 =	simm.s32 @p0 $0x1  }
0x13: {  	[smem:$0x3FB8] =	sst s0;
	s0 =	simm.s32 @!p1 $0x0  }
0x14: {  	s2 =	sld [smem:$0x3F9C];
	s0 =	simm.s32 @p1 $0x1  }
0x15: {  	[smem:$0x3FB9] =	sst s0;
	s0 =	simm.s32 @!p2 $0x0  }
0x16: {  	s3 =	sld [smem:$0x3FDB];
	s0 =	simm.s32 @p2 $0x1  }
0x17: {  	s4 =	simm.s32 $0x1BF5;
	[smem:$0x3FBB] =	sst s0  }
0x18: {  	s0 =	sld [smem:$0x3F9E];
	_ =	swait.ge [sflag:s4], $0x0  }
0x19: {  	s7 =	sld [smem:$0x3F9F]  }
0x1a: {  	s8 =	sadd.s32 $0xFFFFE003, lr  }
0x1b: {  	s9 =	sadd.s32 $0xFFFFFEF7, lr;
	s5 =	simm.s32 $0xFFFFFFFF;
	p2 =	slt.u32 s8, $0xFFFFF086  }
0x1c: {  	p1 =	slt.u32 s9, $0xF7A;
	s5 =	simm.s32 @!p2 $0x0  }
0x1d: {  	s5 =	simm.s32 @p1 $0x1;
	p0 =	seq.s32 s7, s2  }
0x1e: {  	s7 =	smul.u32 @!p0 $0xF7A, s2;
	p2 =	seq.s32 @!p0 s5, $0x0  }
0x1f: {  	s9 =	smul.u32 $0xF7A, s1;
	s8 =	simm.s32 @!p0 $0x1BF5;
	p2 =	por !p2, p0  }
0x20: {  	[sflag:s8] =	ssyncset.s32 @!p0 $0xFFFFF086;
	s6 =	sadd.s32 @!p0 s3, s7;
	s7 =	simm.s32 @!p0 $0x108  }
0x21: {  	s3 =	sadd.s32 s3, s9;
	s6 =	sadd.s32 @!p0 $0x88, s6;
	s7 =	simm.s32 @p2 $0x1082  }
0x22: {  	[simem:s7], [sflag:s8] =	dma.local @!p0 [hbm:s6], $0xF7A  }
0x23: {  	s9 =	sor.u32 $0xD0000000, s2;
	s6 =	simm.s32 $0x108;
	_ =	swait.ge @!p0 [sflag:s8], $0x0  }
0x24: {  	s3 =	sadd.s32 $0x88, s3;
	s6 =	simm.s32 @!p1 $0x1082;
	[sflag:s4] =	ssyncset.s32 $0xFFFFF086  }
0x25: {  	[simem:s6], [sflag:s4] =	dma.local [hbm:s3], $0xF7A  }
0x26: {  	[smem:$0x3F9F] =	sst s1;
	(tag) =	ssettag s2;
	_ =	strace s9  }
0x27: {  	s1 =	sld [smem:$0x3FAF]  }
0x28: {  	s2 =	sld [smem:$0x3FB0]  }
0x29: {  	s4 =	sld [smem:$0x3FB2]  }
0x2a: {  	p0 =	seq.s32 s5, $0x0;
	s5 =	sld [smem:$0x3FB3]  }
0x2b: {  	s6 =	sld [smem:$0x3FB4]  }
0x2c: {  	s7 =	sld [smem:$0x3FB5]  }
0x2d: {  	s3 =	simm.s32 $0x108;
	s8 =	sld [smem:$0x3FB6]  }
0x2e: {  	s3 =	simm.s32 @!p0 $0x1082;
	s9 =	sld [smem:$0x3FB7]  }
0x2f: {  	lr =	sadd.s32 s0, s3;
	s0 =	sld [smem:$0x3FAE]  }
0x30: {  	s3 =	sld [smem:$0x3FB1]  }
0x31: {  	[smem:$0x3FBA] =	sst s10  }
0x32: {  	s10 =	sld [smem:$0x3FB8];
	_ =	sdelay $0x3  }
0x33: {  	p0 =	seq.s32 s10, $0x1;
	s10 =	sld [smem:$0x3FBA];
	_ =	sdelay $0x3  }
0x34: {  	[smem:$0x3FBA] =	sst s10  }
0x35: {  	s10 =	sld [smem:$0x3FB9];
	_ =	sdelay $0x3  }
0x36: {  	p1 =	seq.s32 s10, $0x1;
	s10 =	sld [smem:$0x3FBA];
	_ =	sdelay $0x3  }
0x37: {  	[smem:$0x3FBA] =	sst s10  }
0x38: {  	s10 =	sld [smem:$0x3FBB]  }
0x39: {  	_ = 	snop;
	(pc) =	sbr.ind lr, $3  }
0x3a: {  	_ = 	snop  }
0x3b: {  	_ = 	snop  }
0x3c: {  	p2 =	seq.s32 s10, $0x1;
	s10 =	sld [smem:$0x3FBA]  }
0x3d: {  	_ =	shalt  }
0x3e: {  	_ =	shalt  }
0x3f: {  	_ =	shalt  }
0x40: {  	_ =	shalt  }
0x41: {  	_ =	shalt  }
0x42: {  	_ =	shalt  }
0x43: {  	_ =	shalt  }
0x44: {  	_ =	shalt  }
0x45: {  	_ =	shalt  }
0x46: {  	_ =	shalt  }
0x47: {  	_ =	shalt  }
0x48: {  	_ =	shalt  }
0x49: {  	_ =	shalt  }
0x4a: {  	_ =	shalt  }
0x4b: {  	_ =	shalt  }
0x4c: {  	_ =	shalt  }
0x4d: {  	_ =	shalt  }
0x4e: {  	_ =	shalt  }
0x4f: {  	_ =	shalt  }
0x50: {  	_ =	shalt  }
0x51: {  	_ =	shalt  }
0x52: {  	_ =	shalt  }
0x53: {  	_ =	shalt  }
0x54: {  	_ =	shalt  }
0x55: {  	_ =	shalt  }
0x56: {  	_ =	shalt  }
0x57: {  	_ =	shalt  }
0x58: {  	_ =	shalt  }
0x59: {  	_ =	shalt  }
0x5a: {  	_ =	shalt  }
0x5b: {  	_ =	shalt  }
0x5c: {  	_ =	shalt  }
0x5d: {  	_ =	shalt  }
0x5e: {  	_ =	shalt  }
0x5f: {  	_ =	shalt  }
0x60: {  	_ =	shalt  }
0x61: {  	_ =	shalt  }
0x62: {  	_ =	shalt  }
0x63: {  	_ =	shalt  }
0x64: {  	_ =	shalt  }
0x65: {  	_ =	shalt  }
0x66: {  	_ =	shalt  }
0x67: {  	_ =	shalt  }
0x68: {  	_ =	shalt  }
0x69: {  	_ =	shalt  }
0x6a: {  	_ =	shalt  }
0x6b: {  	_ =	shalt  }
0x6c: {  	_ =	shalt  }
0x6d: {  	_ =	shalt  }
0x6e: {  	_ =	shalt  }
0x6f: {  	_ =	shalt  }
0x70: {  	_ =	shalt  }
0x71: {  	_ =	shalt  }
0x72: {  	_ =	shalt  }
0x73: {  	_ =	shalt  }
0x74: {  	_ =	shalt  }
0x75: {  	_ =	shalt  }
0x76: {  	_ =	shalt  }
0x77: {  	_ =	shalt  }
0x78: {  	_ =	shalt  }
0x79: {  	_ =	shalt  }
0x7a: {  	_ =	shalt  }
0x7b: {  	_ =	shalt  }
0x7c: {  	_ =	shalt  }
0x7d: {  	_ =	shalt  }
0x7e: {  	_ =	shalt  }
0x7f: {  	_ =	shalt  }
0x80: {  	_ =	shalt  }
0x81: {  	_ =	shalt  }
0x82: {  	_ =	shalt  }
0x83: {  	_ =	shalt  }
0x84: {  	_ =	shalt  }
0x85: {  	_ =	shalt  }
0x86: {  	_ =	shalt  }
0x87: {  	_ =	shalt  }
.Lfunc_end0:
.L_simem_size_0:
called_computation_lowered:
.L_overlay_start_0:
0x88: {  	s2 =	sld [smem:$0x3FD9]  }
0x89: {  	s3 =	sld [smem:$0x3FFE];
	_ =	sdelay $0x1  }
0x8a: {  	s1 =	srdreg.scid  }
0x8b: {  	s0 =	sand.u32 $0x1, s1  }
0x8c: {  	s14 =	sshll.u32 s0, $0xA;
	s2 =	sadd.s32 s3, s2  }
0x8d: {  	s2 =	sadd.s32 s2, s14  }
0x8e: {  	[smem:$0x3FC6] =	sst s2  }
0x8f: {  	_ = 	snop  }
0x90: {  	s2 =	sld [smem:$0x3FD0];
	_ =	sdelay $0x2  }
0x91: {  	s15 =	simm.s32 $0xA;
	s4 =	simm.s32 $0x10  }
0x92: {  	[smem:s4], [sflag:s15] =	dma.local [hbm:s2], $0x1  }
0x93: {  	_ =	swait.eq [sflag:s15], $0x1  }
0x94: {  	[sflag:s15] =	ssyncset.done $0x0  }
0x95: {  	[sflag:s15] =	ssyncadd.s32 $0xFFFFFFFF  }
0x96: {  	s16 =	sld [smem:$0x12];
	(tm) =	ssettm $0x1  }
0x97: {  	s17 =	sld [smem:$0x3FFB];
	_ =	sdelay $0x3  }
0x98: {  	_ =	strace s17  }
0x99: {  	s3 =	sld [smem:$0x3FFC];
	_ =	sdelay $0x3  }
0x9a: {  	_ =	strace s3  }
0x9b: {  	s3 =	sld [smem:$0x3FFD];
	_ =	sdelay $0x3  }
0x9c: {  	_ =	strace s3  }
0x9d: {  	_ =	strace $0x8FFFFFFF  }
0x9e: {  	s18 =	sld [smem:$0x3FDB];
	_ =	sdelay $0x1  }
0x9f: {  	s19 =	simm.s32 $_scs_section_size  }
0xa0: {  	s5 =	simm.s32 $_size__tile_overlayer_lowered;
	s6 =	simm.s32 $_tile_overlayer_lowered  }
0xa1: {  	s22 =	simm.s32 $0x1BFF;
	s21 =	sshll.u32 s6, $0x1;
	s3 =	sadd.s32 s19, s18  }
0xa2: {  	s7 =	simm.s32 $0x0;
	s20 =	sshll.u32 s5, $0x1;
	s5 =	sadd.s32 s21, s3  }
0xa3: {  	[timem:s7], [sflag:s22] =	dma.local [hbm:s5], s20  }
0xa4: {  	_ =	swait.ge [sflag:s22], s20  }
0xa5: {  	s4 =	ssub.s32 $0x0, s20;
	[sflag:s22] =	ssyncset.done $0x0  }
0xa6: {  	[sflag:s22] =	ssyncadd.s32 s4;
	_ =	sdelay $0x1  }
0xa7: {  	s23 =	simm.s32 $0x1B8B  }
0xa8: {  	_ =	swait.ge [sflag:s23], $0x1  }
0xa9: {  	[sflag:s23] =	ssyncset.done $0x0  }
0xaa: {  	s25 =	simm.s32 $0x1B8E;
	s24 =	sld [smem:$0x3FFE];
	[sflag:s23] =	ssyncadd.s32 $0xFFFFFFFF  }
0xab: {  	s26 =	simm.s32 $execute0_lowered;
	[smem:$0x3FD2] =	sst s25  }
0xac: {  	s5 =	sshll.u32 s26, $0x1;
	_ =	strace $0x80000046;
	[dreg:$0x1] =	wrdreg $0xFFFFFFFF  }
0xad: {  	s28 =	simm.s32 $_size_execute0_lowered;
	s3 =	sadd.s32 s3, s5;
	[dreg:$0x0] =	wrdreg $0x0  }
0xae: {  	s5 =	sshll.u32 s28, $0x1;
	[dreg:$0x2] =	wrdreg s3  }
0xaf: {  	[dreg:$0x3] =	wrdreg s5  }
0xb0: {  	[dreg:$0x4] =	wrdreg $0xC0  }
0xb1: {  	_ =	task [dreg:s7], $0x5FFFF  }
0xb2: {  	[dreg:$0x1] =	wrdreg $0xFFFFFFFF  }
0xb3: {  	[dreg:$0x0] =	wrdreg $0x60  }
0xb4: {  	[dreg:$0x2] =	wrdreg s24  }
0xb5: {  	[dreg:$0x3] =	wrdreg s16  }
0xb6: {  	[dreg:$0x4] =	wrdreg $0x0  }
0xb7: {  	[dreg:$0x5] =	wrdreg $0x9  }
0xb8: {  	_ =	task.clear_ibuf [dreg:s7], $0x6FFFF;
	_ =	strace $0x90000046  }
0xb9: {  	s29 =	simm.s32 $0x9;
	_ =	strace $0x80000048  }
0xba: {  	_ =	swait.ge [sflag:s29], $0x1  }
0xbb: {  	[sflag:s29] =	ssyncadd.s32 $0xFFFFFFFF  }
0xbc: {  	_ =	strace $0x90000048  }
0xbd: {  	_ =	sfence  }
0xbe: {  	s30 =	sld [smem:$0x0];
	_ =	sdelay $0x2  }
0xbf: {  	s31 =	sshll.u32 s1, $0xD;
	s1 =	sshrl.u32 s1, $0x2  }
0xc0: {  	s3 =	sand.u32 $0x4000, s31;
	s1 =	sadd.s32 s1, s30  }
0xc1: {  	s0 =	sor.u32 s3, s0;
	s1 =	sshll.u32 s1, $0x11  }
0xc2: {  	s0 =	sor.u32 s1, s0  }
0xc3: {  	s0 =	sadd.s32 $0x8F2B, s0  }
0xc4: {  	[sflag:s0] =	ssyncadd.remote.s32 $0x1  }
0xc5: {  	_ =	sfence.sel $0xFFFF  }
0xc6: {  	[dreg:$0x0] =	wrdreg $0xFFFFFFFF;
	(pc) =	sbr.abs _section_cstart, $3  }
0xc7: {  	[dreg:$0x1] =	wrdreg $0xFFFFFFFF  }
0xc8: {  	_ =	task.clear_ibuf [dreg:s7], $0x2FFFF;
	_ =	strace $0x9FFFFFFF  }
0xc9: {  	(tm) =	ssettm $0x7FFFFFFF  }
tec
execute0_lowered:
.L_overlay_start_1:
0x0: {  	(tag) =	ssettag $0x1  }
0x1: {  	s0 =	srdreg.scid;
	s7 =	stileid.u32  }
0x2: {  	s5 =	sand.u32 $0x1, s0;
	s6 =	sshll.u32 s7, $0x1  }
0x3: {  	s6 =	sor.u32 s5, s6;
	s5 =	ssub.s32 $0x2, s5  }
0x4: {  	s9 =	sshrl.u32 s5, $0x1  }
0x5: {  	s3 =	rddreg [dreg:$0x0];
	s9 =	ssub.s32 s5, s9  }
0x6: {  	s4 =	rddreg [dreg:$0x1];
	s31 =	smax.u32 s9, $0x1  }
0x7: {  	s1 =	rddreg [dreg:$0x2];
	s2 =	simm.s32 $0x0;
	s14 =	sadd.s32 $0xFFFFFFFF, s31  }
0x8: {  	s10 =	simm.s32 $0x1;
	s0 =	rddreg [dreg:$0x3];
	p2 =	sne.s32 s14, $0x0  }
.Ltmp0:
0x9: {  	p1 =	por $0x0, $0x0;
	[smem:$0x7FF] =	sst s2;
	(pc) =	sbr.rel @!p2 .LBB2_3-.Ltmp0, $4  }
0xa: {  	p0 =	sne.s32 s7, $0x0;
	s7 =	simm.s32 $0x1000;
	s8 =	smul.u32 $0x700, s6  }
0xb: {  	_ =	strace $0x80000047;
	s11 =	sshrl.u32 @!p0 s1, $0x3;
	s6 =	sadd.s32 $0xC00, s3  }
0xc: {  	s3 =	sadd.s32 s8, s3;
	s5 =	sadd.s32 s4, s8;
	s4 =	simm.s32 $0x2  }
0xd: {  	s9 =	simm.s32 $0x3800;
	s8 =	simm.s32 $0x4800;
	s3 =	sadd.s32 $0x2C00, s3  }
0xe: {  	s12 =	simm.s32 @!p0 $0x1C02;
	s13 =	simm.s32 @!p0 $0x2  }
0xf: {  	[spmem:s11], [sflag:s12] =	dma.local @!p0 [hbm:s6], $0x2000  }
0x10: {  	_ =	swait.ge @!p0 [sflag:s13], $0x2000  }
0x11: {  	[sflag:s13] =	ssyncset.done @!p0 $0x0  }
0x12: {  	[sflag:s13] =	ssyncadd.s32 @!p0 $0xFFFFE000  }
0x13: {  	[bflag:$0x0] =	sbarrier.arrive $0xFFFF  }
0x14: {  	[tilespmem:s7], [sflag:$0x2] =	stream.linear.gather [hbm4b:s5+s2], $0x3800, $0x38;
	[tilespmem:$0x8000] =	vst v63  }
0x15: {  	_ =	swait.ge [sflag:s4], $0x3800  }
0x16: {  	[sflag:s4] =	ssyncset.done $0x0  }
0x17: {  	[sflag:s4] =	ssyncadd.s32 $0xFFFFC800  }
0x18: {  	[tilespmem:s8], [sflag:$0x1] =	stream.indirect.gather [spmem:s1], $0x1, s7, s9, $0xb8;
	[tilespmem:$0x8000] =	vst v63  }
0x19: {  	s14 =	sadd.s32 $0xFFFFFFFF, s14;
	_ =	swait.ge [sflag:s10], $0x3800  }
0x1a: {  	p2 =	sne.s32 s14, $0x0;
	[sflag:s10] =	ssyncset.done $0x0  }
.Ltmp1:
0x1b: {  	[sflag:s10] =	ssyncadd.s32 $0xFFFFC800;
	(pc) =	sbr.rel @!p2 .LBB2_3-.Ltmp1, $4  }
0x1c: {  	[hbm4b:s3+s2] =	stream.linear.scatter [tilespmem:s8], [sflag:$0x2], $0x3800, $0x38;
	[tilespmem:$0x8000] =	vst v63  }
0x1d: {  	_ =	swait.ge [sflag:s4], $0x3800  }
0x1e: {  	[sflag:s4] =	ssyncset.done $0x0  }
0x1f: {  	p1 =	por $0x1, $0x1;
	[sflag:s4] =	ssyncadd.s32 $0xFFFFC800  }
.LBB2_2:
0x20: {  	[bflag:$0x0] =	sbarrier.arrive $0xFFFF  }
0x21: {  	[spmem:s11], [sflag:s12] =	dma.local @!p0 [hbm:s6], $0x2000  }
0x22: {  	s14 =	sadd.s32 $0xFFFFFFFF, s14;
	_ =	swait.ge @!p0 [sflag:s13], $0x2000  }
0x23: {  	p2 =	sne.s32 s14, $0x0;
	[sflag:s13] =	ssyncset.done @!p0 $0x0  }
0x24: {  	[sflag:s13] =	ssyncadd.s32 @!p0 $0xFFFFE000  }
0x25: {  	[bflag:$0x0] =	sbarrier.arrive $0xFFFF  }
0x26: {  	[tilespmem:s7], [sflag:$0x2] =	stream.linear.gather [hbm4b:s5+s2], $0x3800, $0x38;
	[tilespmem:$0x8000] =	vst v63  }
0x27: {  	_ =	swait.ge [sflag:s4], $0x3800  }
0x28: {  	[sflag:s4] =	ssyncset.done $0x0  }
0x29: {  	[sflag:s4] =	ssyncadd.s32 $0xFFFFC800  }
0x2a: {  	[tilespmem:s8], [sflag:$0x1] =	stream.indirect.gather [spmem:s1], $0x1, s7, s9, $0xb8;
	[tilespmem:$0x8000] =	vst v63  }
0x2b: {  	_ =	swait.ge [sflag:s10], $0x3800  }
0x2c: {  	[sflag:s10] =	ssyncset.done $0x0  }
.Ltmp2:
0x2d: {  	[sflag:s10] =	ssyncadd.s32 $0xFFFFC800;
	(pc) =	sbr.rel @p2 .LBB2_2-.Ltmp2, $4  }
0x2e: {  	[hbm4b:s3+s2] =	stream.linear.scatter [tilespmem:s8], [sflag:$0x2], $0x3800, $0x38;
	[tilespmem:$0x8000] =	vst v63  }
0x2f: {  	_ =	swait.ge [sflag:s4], $0x3800  }
0x30: {  	[sflag:s4] =	ssyncset.done $0x0  }
0x31: {  	[sflag:s4] =	ssyncadd.s32 $0xFFFFC800  }
.LBB2_3:
0x32: {  	s12 =	simm.s32 @!p0 $0x1C02;
	s13 =	simm.s32 @!p0 $0x2;
	[bflag:$0x0] =	sbarrier.arrive @p1 $0xFFFF  }
0x33: {  	[spmem:s11], [sflag:s12] =	dma.local @!p0 [hbm:s6], $0x2000  }
0x34: {  	_ =	swait.ge @!p0 [sflag:s13], $0x2000  }
0x35: {  	[sflag:s13] =	ssyncset.done @!p0 $0x0  }
0x36: {  	[sflag:s13] =	ssyncadd.s32 @!p0 $0xFFFFE000  }
0x37: {  	[bflag:$0x0] =	sbarrier.arrive $0xFFFF  }
0x38: {  	[tilespmem:s7], [sflag:$0x2] =	stream.linear.gather [hbm4b:s5+s2], $0x3800, $0x38;
	[tilespmem:$0x8000] =	vst v63  }
0x39: {  	_ =	swait.ge [sflag:s4], $0x3800  }
0x3a: {  	[sflag:s4] =	ssyncset.done $0x0  }
0x3b: {  	[sflag:s4] =	ssyncadd.s32 $0xFFFFC800  }
0x3c: {  	[tilespmem:s8], [sflag:$0x1] =	stream.indirect.gather [spmem:s1], $0x1, s7, s9, $0xb8;
	[tilespmem:$0x8000] =	vst v63  }
0x3d: {  	_ =	swait.ge [sflag:s10], $0x3800  }
0x3e: {  	[sflag:s10] =	ssyncset.done $0x0  }
0x3f: {  	[sflag:s10] =	ssyncadd.s32 $0xFFFFC800  }
0x40: {  	[hbm4b:s3+s2] =	stream.linear.scatter [tilespmem:s8], [sflag:$0x2], $0x3800, $0x38;
	[tilespmem:$0x8000] =	vst v63  }
0x41: {  	_ =	swait.ge [sflag:s4], $0x3800  }
0x42: {  	[sflag:s4] =	ssyncset.done $0x0  }
0x43: {  	[sflag:s4] =	ssyncadd.s32 $0xFFFFC800  }
0x44: {  	[bflag:$0x0] =	sbarrier.arrive $0xFFFF  }
0x45: {  	_ =	sfence.sel $0x180000  }
0x46: {  	[bflag:$0x0] =	sbarrier.arrive $0xFFFF  }
0x47: {  	_ =	strace $0x90000047  }
0x48: {  	s0 =	sadd.s32 @!p0 $0x100000, s0;
	[bflag:$0x2] =	sbarrier.arrive $0xFFFF  }
0x49: {  	[sflag:s0] =	ssyncadd.tile.s32 @!p0 $0x1;
	_ =	shalt  }
.Lfunc_end2:
_tile_overlayer_lowered:
.L_overlay_start_2:
0x4a: {  	(tag) =	ssettag $0x2  }
0x4b: {  	s0 =	rddreg [dreg:$0x0];
	s2 =	stileid.u32  }
0x4c: {  	s1 =	rddreg [dreg:$0x1];
	p0 =	sne.s32 s2, $0x0  }
0x4d: {  	s3 =	rddreg [dreg:$0x2];
	[bflag:$0x3] =	sbarrier.arrive $0xFFFF;
	s2 =	simm.s32 @!p0 $0x1C02  }
0x4e: {  	[timem:s3], [sflag:s2] =	dma.local @!p0 [hbm:s0], s1  }
0x4f: {  	s0 =	simm.s32 @!p0 $0x2  }
0x50: {  	_ =	swait.ge @!p0 [sflag:s0], s1  }
0x51: {  	s1 =	ssub.s32 @!p0 $0x0, s1;
	[sflag:s0] =	ssyncset.done @!p0 $0x0  }
0x52: {  	[sflag:s0] =	ssyncadd.s32 @!p0 s1  }
0x53: {  	[bflag:$0x3] =	sbarrier.arrive $0xFFFF  }
0x54: {  	_ =	shalt  }

</sc_bundles>
